<compile_context>
chip_gen: v7x
topology: tpu7x:2x2x1
jax: 0.10.2.dev20260603
libtpu: 0.0.44.dev20260713+nightly
codegen_flags: <defaults>
</compile_context>

<pallas_src>
import jax
import jax.numpy as jnp
from jax import lax
from jax.experimental import pallas as pl
from jax.experimental.pallas import tpu as pltpu
from jax.experimental.pallas import tpu_sc as plsc

N_CAT = 1000
BATCH = 16384
L = 16
NC, NS = 2, 16
NW = NC * NS
CPW = BATCH // NW
R0, R1 = 104, 96
NPAIR = N_CAT // (R0 + R1)


def _body(obs_hbm, eye_hbm, out_hbm, idx_v, zb0, zb1, sem0, sem1):
    del eye_hbm
    wid = lax.axis_index("s") * NC + lax.axis_index("c")
    colbase = wid * CPW
    pltpu.sync_copy(obs_hbm.at[pl.ds(colbase, CPW)], idx_v)

    zeros = jnp.zeros((L,), jnp.float32)
    ones = jnp.ones((L,), jnp.float32)
    iota = lax.broadcasted_iota(jnp.int32, (L,), 0)

    def zinit(zb):
        def step(i, _):
            zb[i // 32, pl.ds((i % 32) * L, L)] = zeros
            return 0
        return step

    def clear_set_pass(zb, pr0, r0, nr):
        def one(j, _):
            v = idx_v[pl.ds(j * L, L)]
            col = iota + j * L
            pmask = (v >= pr0) & (v < pr0 + nr)
            plsc.store_scatter(zb, [v - pr0, col], zeros, mask=pmask)
            mask = (v >= r0) & (v < r0 + nr)
            plsc.store_scatter(zb, [v - r0, col], ones, mask=mask)
            return 0
        lax.fori_loop(0, CPW // L, one, 0, unroll=4)

    lax.fori_loop(0, R0 * 32, zinit(zb0), 0, unroll=8)

    def pair(i, _):
        r0 = i * (R0 + R1)
        @pl.when(i > 0)
        def _():
            pltpu.make_async_copy(
                zb0, out_hbm.at[pl.ds(0, R0), pl.ds(colbase, CPW)], sem0).wait()

        clear_set_pass(zb0, r0 - (R0 + R1), r0, R0)
        pltpu.async_copy(
            zb0, out_hbm.at[pl.ds(r0, R0), pl.ds(colbase, CPW)], sem0)

        @pl.when(i == 0)
        def _():
            lax.fori_loop(0, R1 * 32, zinit(zb1), 0, unroll=8)

        @pl.when(i > 0)
        def _():
            pltpu.make_async_copy(
                zb1, out_hbm.at[pl.ds(0, R1), pl.ds(colbase, CPW)], sem1).wait()

        clear_set_pass(zb1, r0 - R1, r0 + R0, R1)
        pltpu.async_copy(
            zb1, out_hbm.at[pl.ds(r0 + R0, R1), pl.ds(colbase, CPW)], sem1)
        return 0

    lax.fori_loop(0, NPAIR, pair, 0)
    pltpu.make_async_copy(
        zb0, out_hbm.at[pl.ds(0, R0), pl.ds(colbase, CPW)], sem0).wait()
    pltpu.make_async_copy(
        zb1, out_hbm.at[pl.ds(0, R1), pl.ds(colbase, CPW)], sem1).wait()


@jax.jit
def kernel(obs, eye):
    mesh = plsc.VectorSubcoreMesh(core_axis_name="c", subcore_axis_name="s")
    out_t = pl.kernel(
        _body,
        out_type=jax.ShapeDtypeStruct((N_CAT, BATCH), jnp.float32),
        mesh=mesh,
        compiler_params=pltpu.CompilerParams(
            needs_layout_passes=False, use_tc_tiling_on_sc=True),
        scratch_types=[
            pltpu.VMEM((CPW,), jnp.int32),
            pltpu.VMEM((R0, CPW), jnp.float32),
            pltpu.VMEM((R1, CPW), jnp.float32),
            pltpu.SemaphoreType.DMA,
            pltpu.SemaphoreType.DMA,
        ],
    )(obs, eye)
    return out_t.T

# --- scband reference (transcript-rebuilt; emitter-appended) ---
"""Pipeline reference for scband-model-23192823398601 (READ-ONLY COPY).

The authoritative reference and input builder live on the scoring server;
editing this copy changes nothing except your own understanding.
"""

import jax, jax.numpy as jnp
import numpy as np

N_CAT = 1000
BATCH = 16384


def setup_inputs(seed: int = 0) -> dict:
    key = jax.random.key(seed)
    obs = jax.random.randint(key, (BATCH,), 0, N_CAT, dtype=jnp.int64) if jax.config.jax_enable_x64 else jax.random.randint(key, (BATCH,), 0, N_CAT, dtype=jnp.int32)
    # The OneHot module materializes an identity 'embedding table' torch.eye(n_cat)
    # and gathers rows: torch.eye(n_cat)[x]. We materialize it as a parameter-like array.
    eye = jnp.eye(N_CAT, dtype=jnp.float32)
    return {"obs": obs, "eye": eye}


def reference(obs, eye):
    # Discrete observation space path: Model.forward -> OneHot.forward
    # torch.eye(n_cat)[x]  ==  row-gather from identity matrix (embedding lookup)
    return jnp.take(eye, obs, axis=0)

if __name__ == "__main__":
    import jax
    _d = setup_inputs()
    print(jax.jit(kernel)(*tuple(_d.values())))

</pallas_src>

<mosaic_0001>
#map = affine_map<(d0, d1) -> (0)>
#map1 = affine_map<(d0, d1) -> (0, 0)>
module attributes {stable_mosaic.version = 14 : i64} {
  func.func @_body(%arg0: i32, %arg1: i32, %arg2: memref<16384xi32, #tpu.memory_space<hbm>>, %arg3: memref<1000x1000xf32, #tpu.memory_space<hbm>>, %arg4: memref<1000x16384xf32, #tpu.memory_space<hbm>>, %arg5: memref<512xi32, #tpu.memory_space<vmem>>, %arg6: memref<104x512xf32, #tpu.memory_space<vmem>>, %arg7: memref<96x512xf32, #tpu.memory_space<vmem>>, %arg8: memref<!tpu.dma_semaphore, #tpu.memory_space<semaphore_mem>>, %arg9: memref<!tpu.dma_semaphore, #tpu.memory_space<semaphore_mem>>) attributes {dimension_semantics = [#tpu.dimension_semantics<core_parallel>, #tpu.dimension_semantics<subcore_parallel>], iteration_bounds = array<i64: 2, 16>, scalar_prefetch = 0 : i64, scratch_operands = 5 : i64, tpu.core_type = #tpu.core_type<sc_vector_subcore>, window_params = [{transform_indices = #map}, {transform_indices = #map1}, {transform_indices = #map1}]} {
    %mul3A = arith.constant 2 : i32
    %mul3A_0 = arith.muli %arg1, %mul3A : i32
    %add3A = arith.addi %mul3A_0, %arg0 : i32
    %mul3A_1 = arith.constant 512 : i32
    %mul3A_2 = arith.muli %add3A, %mul3A_1 : i32
    "tpu.region"() ({
      %run_scoped3A = tpu.sem_alloc : memref<!tpu.dma_semaphore, #tpu.memory_space<semaphore_mem>>
      %dma_start3A = tpu.memref_slice %arg2[%mul3A_2] : memref<16384xi32, #tpu.memory_space<hbm>> -> memref<512xi32, #tpu.memory_space<hbm>>
      %dma_start3A_26 = tpu.memref_slice %arg2[%mul3A_2] : memref<16384xi32, #tpu.memory_space<hbm>> -> memref<512xi32, #tpu.memory_space<hbm>>
      tpu.enqueue_dma source(%dma_start3A_26 : memref<512xi32, #tpu.memory_space<hbm>>) target(%arg5 : memref<512xi32, #tpu.memory_space<vmem>>) target_semaphore(%run_scoped3A : memref<!tpu.dma_semaphore, #tpu.memory_space<semaphore_mem>>)
      %dma_wait3A_27 = tpu.memref_slice %arg2[%mul3A_2] : memref<16384xi32, #tpu.memory_space<hbm>> -> memref<512xi32, #tpu.memory_space<hbm>>
      %dma_wait3A_28 = tpu.memref_slice %arg2[%mul3A_2] : memref<16384xi32, #tpu.memory_space<hbm>> -> memref<512xi32, #tpu.memory_space<hbm>>
      tpu.wait_dma2 semaphore(%run_scoped3A : memref<!tpu.dma_semaphore, #tpu.memory_space<semaphore_mem>>) src(%dma_wait3A_28 : memref<512xi32, #tpu.memory_space<hbm>>) dst(%arg5 : memref<512xi32, #tpu.memory_space<vmem>>)
      tpu.yield
    }) : () -> ()
    %broadcast_in_dim3A = arith.constant 0.000000e+00 : f32
    %broadcast_in_dim3A_3 = vector.broadcast %broadcast_in_dim3A : f32 to vector<16xf32>
    %broadcast_in_dim3A_4 = arith.constant 1.000000e+00 : f32
    %broadcast_in_dim3A_5 = vector.broadcast %broadcast_in_dim3A_4 : f32 to vector<16xf32>
    %iota3A = tpu.iota {dimensions = array<i32: 0>} : vector<16xi32>
    %scan3A = arith.constant 0 : i32
    %scan3A_6 = arith.constant 0 : i32
    %scan3A_7 = arith.constant 3328 : i32
    %scan3A_8 = arith.addi %scan3A_6, %scan3A_7 : i32
    %scan3A_9 = arith.constant 8 : i32
    %scan3A_10 = scf.for %scan3A_26 = %scan3A_6 to %scan3A_8 step %scan3A_9 iter_args(%scan3A_27 = %scan3A) -> (i32)  : i32 {
      %jit3A = arith.constant 32 : i32
      %div3A = arith.divsi %scan3A_26, %jit3A : i32
      %sign3A = arith.constant 0 : i32
      %sign3A_28 = arith.cmpi sgt, %scan3A_26, %sign3A : i32
      %sign3A_29 = arith.extui %sign3A_28 : i1 to i32
      %sign3A_30 = arith.constant 0 : i32
      %sign3A_31 = arith.cmpi slt, %scan3A_26, %sign3A_30 : i32
      %sign3A_32 = arith.extui %sign3A_31 : i1 to i32
      %sign3A_33 = arith.subi %sign3A_29, %sign3A_32 : i32
      %sign3A_34 = arith.constant 0 : i32
      %sign3A_35 = arith.cmpi sgt, %jit3A, %sign3A_34 : i32
      %sign3A_36 = arith.extui %sign3A_35 : i1 to i32
      %sign3A_37 = arith.constant 0 : i32
      %sign3A_38 = arith.cmpi slt, %jit3A, %sign3A_37 : i32
      %sign3A_39 = arith.extui %sign3A_38 : i1 to i32
      %sign3A_40 = arith.subi %sign3A_36, %sign3A_39 : i32
      %ne3A = arith.cmpi ne, %sign3A_33, %sign3A_40 : i32
      %rem3A = arith.remsi %scan3A_26, %jit3A : i32
      %ne3A_41 = arith.constant 0 : i32
      %ne3A_42 = arith.cmpi ne, %rem3A, %ne3A_41 : i32
      %and3A = arith.andi %ne3A, %ne3A_42 : i1
      %sub3A = arith.constant 1 : i32
      %sub3A_43 = arith.subi %div3A, %sub3A : i32
      %select_n3A = arith.select %and3A, %sub3A_43, %div3A : i32
      %jit3A_44 = arith.constant 32 : i32
      %eq3A = arith.constant 0 : i32
      %eq3A_45 = arith.cmpi eq, %jit3A_44, %eq3A : i32
      %jit3A_46 = arith.constant 1 : i32
      %select_n3A_47 = arith.select %eq3A_45, %jit3A_46, %jit3A_44 : i32
      %rem3A_48 = arith.remsi %scan3A_26, %select_n3A_47 : i32
      %ne3A_49 = arith.constant 0 : i32
      %ne3A_50 = arith.cmpi ne, %rem3A_48, %ne3A_49 : i32
      %lt3A = arith.constant 0 : i32
      %lt3A_51 = arith.cmpi slt, %rem3A_48, %lt3A : i32
      %lt3A_52 = arith.constant 0 : i32
      %lt3A_53 = arith.cmpi slt, %select_n3A_47, %lt3A_52 : i32
      %ne3A_54 = arith.xori %lt3A_51, %lt3A_53 : i1
      %and3A_55 = arith.andi %ne3A_54, %ne3A_50 : i1
      %add3A_56 = arith.addi %rem3A_48, %select_n3A_47 : i32
      %select_n3A_57 = arith.select %and3A_55, %add3A_56, %rem3A_48 : i32
      %mul3A_58 = arith.constant 16 : i32
      %mul3A_59 = arith.muli %select_n3A_57, %mul3A_58 : i32
      %swap3A = arith.index_cast %select_n3A : i32 to index
      %swap3A_60 = arith.index_cast %mul3A_59 : i32 to index
      %swap3A_61 = tpu.vector_load %arg6[%swap3A, %swap3A_60] {strides = array<i32>} : memref<104x512xf32, #tpu.memory_space<vmem>>, vector<16xf32>,
      tpu.vector_store %arg6[%swap3A, %swap3A_60], %broadcast_in_dim3A_3 {strides = array<i32>} : memref<104x512xf32, #tpu.memory_space<vmem>>, vector<16xf32>,
      %scan3A_62 = arith.constant 0 : i32
      %scan3A_63 = arith.constant 1 : i32
      %scan3A_64 = arith.addi %scan3A_26, %scan3A_63 : i32
      %jit3A_65 = arith.constant 32 : i32
      %div3A_66 = arith.divsi %scan3A_64, %jit3A_65 : i32
      %sign3A_67 = arith.constant 0 : i32
      %sign3A_68 = arith.cmpi sgt, %scan3A_64, %sign3A_67 : i32
      %sign3A_69 = arith.extui %sign3A_68 : i1 to i32
      %sign3A_70 = arith.constant 0 : i32
      %sign3A_71 = arith.cmpi slt, %scan3A_64, %sign3A_70 : i32
      %sign3A_72 = arith.extui %sign3A_71 : i1 to i32
      %sign3A_73 = arith.subi %sign3A_69, %sign3A_72 : i32
      %sign3A_74 = arith.constant 0 : i32
      %sign3A_75 = arith.cmpi sgt, %jit3A_65, %sign3A_74 : i32
      %sign3A_76 = arith.extui %sign3A_75 : i1 to i32
      %sign3A_77 = arith.constant 0 : i32
      %sign3A_78 = arith.cmpi slt, %jit3A_65, %sign3A_77 : i32
      %sign3A_79 = arith.extui %sign3A_78 : i1 to i32
      %sign3A_80 = arith.subi %sign3A_76, %sign3A_79 : i32
      %ne3A_81 = arith.cmpi ne, %sign3A_73, %sign3A_80 : i32
      %rem3A_82 = arith.remsi %scan3A_64, %jit3A_65 : i32
      %ne3A_83 = arith.constant 0 : i32
      %ne3A_84 = arith.cmpi ne, %rem3A_82, %ne3A_83 : i32
      %and3A_85 = arith.andi %ne3A_81, %ne3A_84 : i1
      %sub3A_86 = arith.constant 1 : i32
      %sub3A_87 = arith.subi %div3A_66, %sub3A_86 : i32
      %select_n3A_88 = arith.select %and3A_85, %sub3A_87, %div3A_66 : i32
      %jit3A_89 = arith.constant 32 : i32
      %eq3A_90 = arith.constant 0 : i32
      %eq3A_91 = arith.cmpi eq, %jit3A_89, %eq3A_90 : i32
      %jit3A_92 = arith.constant 1 : i32
      %select_n3A_93 = arith.select %eq3A_91, %jit3A_92, %jit3A_89 : i32
      %rem3A_94 = arith.remsi %scan3A_64, %select_n3A_93 : i32
      %ne3A_95 = arith.constant 0 : i32
      %ne3A_96 = arith.cmpi ne, %rem3A_94, %ne3A_95 : i32
      %lt3A_97 = arith.constant 0 : i32
      %lt3A_98 = arith.cmpi slt, %rem3A_94, %lt3A_97 : i32
      %lt3A_99 = arith.constant 0 : i32
      %lt3A_100 = arith.cmpi slt, %select_n3A_93, %lt3A_99 : i32
      %ne3A_101 = arith.xori %lt3A_98, %lt3A_100 : i1
      %and3A_102 = arith.andi %ne3A_101, %ne3A_96 : i1
      %add3A_103 = arith.addi %rem3A_94, %select_n3A_93 : i32
      %select_n3A_104 = arith.select %and3A_102, %add3A_103, %rem3A_94 : i32
      %mul3A_105 = arith.constant 16 : i32
      %mul3A_106 = arith.muli %select_n3A_104, %mul3A_105 : i32
      %swap3A_107 = arith.index_cast %select_n3A_88 : i32 to index
      %swap3A_108 = arith.index_cast %mul3A_106 : i32 to index
      %swap3A_109 = tpu.vector_load %arg6[%swap3A_107, %swap3A_108] {strides = array<i32>} : memref<104x512xf32, #tpu.memory_space<vmem>>, vector<16xf32>,
      tpu.vector_store %arg6[%swap3A_107, %swap3A_108], %broadcast_in_dim3A_3 {strides = array<i32>} : memref<104x512xf32, #tpu.memory_space<vmem>>, vector<16xf32>,
      %scan3A_110 = arith.constant 0 : i32
      %scan3A_111 = arith.constant 2 : i32
      %scan3A_112 = arith.addi %scan3A_26, %scan3A_111 : i32
      %jit3A_113 = arith.constant 32 : i32
      %div3A_114 = arith.divsi %scan3A_112, %jit3A_113 : i32
      %sign3A_115 = arith.constant 0 : i32
      %sign3A_116 = arith.cmpi sgt, %scan3A_112, %sign3A_115 : i32
      %sign3A_117 = arith.extui %sign3A_116 : i1 to i32
      %sign3A_118 = arith.constant 0 : i32
      %sign3A_119 = arith.cmpi slt, %scan3A_112, %sign3A_118 : i32
      %sign3A_120 = arith.extui %sign3A_119 : i1 to i32
      %sign3A_121 = arith.subi %sign3A_117, %sign3A_120 : i32
      %sign3A_122 = arith.constant 0 : i32
      %sign3A_123 = arith.cmpi sgt, %jit3A_113, %sign3A_122 : i32
      %sign3A_124 = arith.extui %sign3A_123 : i1 to i32
      %sign3A_125 = arith.constant 0 : i32
      %sign3A_126 = arith.cmpi slt, %jit3A_113, %sign3A_125 : i32
      %sign3A_127 = arith.extui %sign3A_126 : i1 to i32
      %sign3A_128 = arith.subi %sign3A_124, %sign3A_127 : i32
      %ne3A_129 = arith.cmpi ne, %sign3A_121, %sign3A_128 : i32
      %rem3A_130 = arith.remsi %scan3A_112, %jit3A_113 : i32
      %ne3A_131 = arith.constant 0 : i32
      %ne3A_132 = arith.cmpi ne, %rem3A_130, %ne3A_131 : i32
      %and3A_133 = arith.andi %ne3A_129, %ne3A_132 : i1
      %sub3A_134 = arith.constant 1 : i32
      %sub3A_135 = arith.subi %div3A_114, %sub3A_134 : i32
      %select_n3A_136 = arith.select %and3A_133, %sub3A_135, %div3A_114 : i32
      %jit3A_137 = arith.constant 32 : i32
      %eq3A_138 = arith.constant 0 : i32
      %eq3A_139 = arith.cmpi eq, %jit3A_137, %eq3A_138 : i32
      %jit3A_140 = arith.constant 1 : i32
      %select_n3A_141 = arith.select %eq3A_139, %jit3A_140, %jit3A_137 : i32
      %rem3A_142 = arith.remsi %scan3A_112, %select_n3A_141 : i32
      %ne3A_143 = arith.constant 0 : i32
      %ne3A_144 = arith.cmpi ne, %rem3A_142, %ne3A_143 : i32
      %lt3A_145 = arith.constant 0 : i32
      %lt3A_146 = arith.cmpi slt, %rem3A_142, %lt3A_145 : i32
      %lt3A_147 = arith.constant 0 : i32
      %lt3A_148 = arith.cmpi slt, %select_n3A_141, %lt3A_147 : i32
      %ne3A_149 = arith.xori %lt3A_146, %lt3A_148 : i1
      %and3A_150 = arith.andi %ne3A_149, %ne3A_144 : i1
      %add3A_151 = arith.addi %rem3A_142, %select_n3A_141 : i32
      %select_n3A_152 = arith.select %and3A_150, %add3A_151, %rem3A_142 : i32
      %mul3A_153 = arith.constant 16 : i32
      %mul3A_154 = arith.muli %select_n3A_152, %mul3A_153 : i32
      %swap3A_155 = arith.index_cast %select_n3A_136 : i32 to index
      %swap3A_156 = arith.index_cast %mul3A_154 : i32 to index
      %swap3A_157 = tpu.vector_load %arg6[%swap3A_155, %swap3A_156] {strides = array<i32>} : memref<104x512xf32, #tpu.memory_space<vmem>>, vector<16xf32>,
      tpu.vector_store %arg6[%swap3A_155, %swap3A_156], %broadcast_in_dim3A_3 {strides = array<i32>} : memref<104x512xf32, #tpu.memory_space<vmem>>, vector<16xf32>,
      %scan3A_158 = arith.constant 0 : i32
      %scan3A_159 = arith.constant 3 : i32
      %scan3A_160 = arith.addi %scan3A_26, %scan3A_159 : i32
      %jit3A_161 = arith.constant 32 : i32
      %div3A_162 = arith.divsi %scan3A_160, %jit3A_161 : i32
      %sign3A_163 = arith.constant 0 : i32
      %sign3A_164 = arith.cmpi sgt, %scan3A_160, %sign3A_163 : i32
      %sign3A_165 = arith.extui %sign3A_164 : i1 to i32
      %sign3A_166 = arith.constant 0 : i32
      %sign3A_167 = arith.cmpi slt, %scan3A_160, %sign3A_166 : i32
      %sign3A_168 = arith.extui %sign3A_167 : i1 to i32
      %sign3A_169 = arith.subi %sign3A_165, %sign3A_168 : i32
      %sign3A_170 = arith.constant 0 : i32
      %sign3A_171 = arith.cmpi sgt, %jit3A_161, %sign3A_170 : i32
      %sign3A_172 = arith.extui %sign3A_171 : i1 to i32
      %sign3A_173 = arith.constant 0 : i32
      %sign3A_174 = arith.cmpi slt, %jit3A_161, %sign3A_173 : i32
      %sign3A_175 = arith.extui %sign3A_174 : i1 to i32
      %sign3A_176 = arith.subi %sign3A_172, %sign3A_175 : i32
      %ne3A_177 = arith.cmpi ne, %sign3A_169, %sign3A_176 : i32
      %rem3A_178 = arith.remsi %scan3A_160, %jit3A_161 : i32
      %ne3A_179 = arith.constant 0 : i32
      %ne3A_180 = arith.cmpi ne, %rem3A_178, %ne3A_179 : i32
      %and3A_181 = arith.andi %ne3A_177, %ne3A_180 : i1
      %sub3A_182 = arith.constant 1 : i32
      %sub3A_183 = arith.subi %div3A_162, %sub3A_182 : i32
      %select_n3A_184 = arith.select %and3A_181, %sub3A_183, %div3A_162 : i32
      %jit3A_185 = arith.constant 32 : i32
      %eq3A_186 = arith.constant 0 : i32
      %eq3A_187 = arith.cmpi eq, %jit3A_185, %eq3A_186 : i32
      %jit3A_188 = arith.constant 1 : i32
      %select_n3A_189 = arith.select %eq3A_187, %jit3A_188, %jit3A_185 : i32
      %rem3A_190 = arith.remsi %scan3A_160, %select_n3A_189 : i32
      %ne3A_191 = arith.constant 0 : i32
      %ne3A_192 = arith.cmpi ne, %rem3A_190, %ne3A_191 : i32
      %lt3A_193 = arith.constant 0 : i32
      %lt3A_194 = arith.cmpi slt, %rem3A_190, %lt3A_193 : i32
      %lt3A_195 = arith.constant 0 : i32
      %lt3A_196 = arith.cmpi slt, %select_n3A_189, %lt3A_195 : i32
      %ne3A_197 = arith.xori %lt3A_194, %lt3A_196 : i1
      %and3A_198 = arith.andi %ne3A_197, %ne3A_192 : i1
      %add3A_199 = arith.addi %rem3A_190, %select_n3A_189 : i32
      %select_n3A_200 = arith.select %and3A_198, %add3A_199, %rem3A_190 : i32
      %mul3A_201 = arith.constant 16 : i32
      %mul3A_202 = arith.muli %select_n3A_200, %mul3A_201 : i32
      %swap3A_203 = arith.index_cast %select_n3A_184 : i32 to index
      %swap3A_204 = arith.index_cast %mul3A_202 : i32 to index
      %swap3A_205 = tpu.vector_load %arg6[%swap3A_203, %swap3A_204] {strides = array<i32>} : memref<104x512xf32, #tpu.memory_space<vmem>>, vector<16xf32>,
      tpu.vector_store %arg6[%swap3A_203, %swap3A_204], %broadcast_in_dim3A_3 {strides = array<i32>} : memref<104x512xf32, #tpu.memory_space<vmem>>, vector<16xf32>,
      %scan3A_206 = arith.constant 0 : i32
      %scan3A_207 = arith.constant 4 : i32
      %scan3A_208 = arith.addi %scan3A_26, %scan3A_207 : i32
      %jit3A_209 = arith.constant 32 : i32
      %div3A_210 = arith.divsi %scan3A_208, %jit3A_209 : i32
      %sign3A_211 = arith.constant 0 : i32
      %sign3A_212 = arith.cmpi sgt, %scan3A_208, %sign3A_211 : i32
      %sign3A_213 = arith.extui %sign3A_212 : i1 to i32
      %sign3A_214 = arith.constant 0 : i32
      %sign3A_215 = arith.cmpi slt, %scan3A_208, %sign3A_214 : i32
      %sign3A_216 = arith.extui %sign3A_215 : i1 to i32
      %sign3A_217 = arith.subi %sign3A_213, %sign3A_216 : i32
      %sign3A_218 = arith.constant 0 : i32
      %sign3A_219 = arith.cmpi sgt, %jit3A_209, %sign3A_218 : i32
      %sign3A_220 = arith.extui %sign3A_219 : i1 to i32
      %sign3A_221 = arith.constant 0 : i32
      %sign3A_222 = arith.cmpi slt, %jit3A_209, %sign3A_221 : i32
      %sign3A_223 = arith.extui %sign3A_222 : i1 to i32
      %sign3A_224 = arith.subi %sign3A_220, %sign3A_223 : i32
      %ne3A_225 = arith.cmpi ne, %sign3A_217, %sign3A_224 : i32
      %rem3A_226 = arith.remsi %scan3A_208, %jit3A_209 : i32
      %ne3A_227 = arith.constant 0 : i32
      %ne3A_228 = arith.cmpi ne, %rem3A_226, %ne3A_227 : i32
      %and3A_229 = arith.andi %ne3A_225, %ne3A_228 : i1
      %sub3A_230 = arith.constant 1 : i32
      %sub3A_231 = arith.subi %div3A_210, %sub3A_230 : i32
      %select_n3A_232 = arith.select %and3A_229, %sub3A_231, %div3A_210 : i32
      %jit3A_233 = arith.constant 32 : i32
      %eq3A_234 = arith.constant 0 : i32
      %eq3A_235 = arith.cmpi eq, %jit3A_233, %eq3A_234 : i32
      %jit3A_236 = arith.constant 1 : i32
      %select_n3A_237 = arith.select %eq3A_235, %jit3A_236, %jit3A_233 : i32
      %rem3A_238 = arith.remsi %scan3A_208, %select_n3A_237 : i32
      %ne3A_239 = arith.constant 0 : i32
      %ne3A_240 = arith.cmpi ne, %rem3A_238, %ne3A_239 : i32
      %lt3A_241 = arith.constant 0 : i32
      %lt3A_242 = arith.cmpi slt, %rem3A_238, %lt3A_241 : i32
      %lt3A_243 = arith.constant 0 : i32
      %lt3A_244 = arith.cmpi slt, %select_n3A_237, %lt3A_243 : i32
      %ne3A_245 = arith.xori %lt3A_242, %lt3A_244 : i1
      %and3A_246 = arith.andi %ne3A_245, %ne3A_240 : i1
      %add3A_247 = arith.addi %rem3A_238, %select_n3A_237 : i32
      %select_n3A_248 = arith.select %and3A_246, %add3A_247, %rem3A_238 : i32
      %mul3A_249 = arith.constant 16 : i32
      %mul3A_250 = arith.muli %select_n3A_248, %mul3A_249 : i32
      %swap3A_251 = arith.index_cast %select_n3A_232 : i32 to index
      %swap3A_252 = arith.index_cast %mul3A_250 : i32 to index
      %swap3A_253 = tpu.vector_load %arg6[%swap3A_251, %swap3A_252] {strides = array<i32>} : memref<104x512xf32, #tpu.memory_space<vmem>>, vector<16xf32>,
      tpu.vector_store %arg6[%swap3A_251, %swap3A_252], %broadcast_in_dim3A_3 {strides = array<i32>} : memref<104x512xf32, #tpu.memory_space<vmem>>, vector<16xf32>,
      %scan3A_254 = arith.constant 0 : i32
      %scan3A_255 = arith.constant 5 : i32
      %scan3A_256 = arith.addi %scan3A_26, %scan3A_255 : i32
      %jit3A_257 = arith.constant 32 : i32
      %div3A_258 = arith.divsi %scan3A_256, %jit3A_257 : i32
      %sign3A_259 = arith.constant 0 : i32
      %sign3A_260 = arith.cmpi sgt, %scan3A_256, %sign3A_259 : i32
      %sign3A_261 = arith.extui %sign3A_260 : i1 to i32
      %sign3A_262 = arith.constant 0 : i32
      %sign3A_263 = arith.cmpi slt, %scan3A_256, %sign3A_262 : i32
      %sign3A_264 = arith.extui %sign3A_263 : i1 to i32
      %sign3A_265 = arith.subi %sign3A_261, %sign3A_264 : i32
      %sign3A_266 = arith.constant 0 : i32
      %sign3A_267 = arith.cmpi sgt, %jit3A_257, %sign3A_266 : i32
      %sign3A_268 = arith.extui %sign3A_267 : i1 to i32
      %sign3A_269 = arith.constant 0 : i32
      %sign3A_270 = arith.cmpi slt, %jit3A_257, %sign3A_269 : i32
      %sign3A_271 = arith.extui %sign3A_270 : i1 to i32
      %sign3A_272 = arith.subi %sign3A_268, %sign3A_271 : i32
      %ne3A_273 = arith.cmpi ne, %sign3A_265, %sign3A_272 : i32
      %rem3A_274 = arith.remsi %scan3A_256, %jit3A_257 : i32
      %ne3A_275 = arith.constant 0 : i32
      %ne3A_276 = arith.cmpi ne, %rem3A_274, %ne3A_275 : i32
      %and3A_277 = arith.andi %ne3A_273, %ne3A_276 : i1
      %sub3A_278 = arith.constant 1 : i32
      %sub3A_279 = arith.subi %div3A_258, %sub3A_278 : i32
      %select_n3A_280 = arith.select %and3A_277, %sub3A_279, %div3A_258 : i32
      %jit3A_281 = arith.constant 32 : i32
      %eq3A_282 = arith.constant 0 : i32
      %eq3A_283 = arith.cmpi eq, %jit3A_281, %eq3A_282 : i32
      %jit3A_284 = arith.constant 1 : i32
      %select_n3A_285 = arith.select %eq3A_283, %jit3A_284, %jit3A_281 : i32
      %rem3A_286 = arith.remsi %scan3A_256, %select_n3A_285 : i32
      %ne3A_287 = arith.constant 0 : i32
      %ne3A_288 = arith.cmpi ne, %rem3A_286, %ne3A_287 : i32
      %lt3A_289 = arith.constant 0 : i32
      %lt3A_290 = arith.cmpi slt, %rem3A_286, %lt3A_289 : i32
      %lt3A_291 = arith.constant 0 : i32
      %lt3A_292 = arith.cmpi slt, %select_n3A_285, %lt3A_291 : i32
      %ne3A_293 = arith.xori %lt3A_290, %lt3A_292 : i1
      %and3A_294 = arith.andi %ne3A_293, %ne3A_288 : i1
      %add3A_295 = arith.addi %rem3A_286, %select_n3A_285 : i32
      %select_n3A_296 = arith.select %and3A_294, %add3A_295, %rem3A_286 : i32
      %mul3A_297 = arith.constant 16 : i32
      %mul3A_298 = arith.muli %select_n3A_296, %mul3A_297 : i32
      %swap3A_299 = arith.index_cast %select_n3A_280 : i32 to index
      %swap3A_300 = arith.index_cast %mul3A_298 : i32 to index
      %swap3A_301 = tpu.vector_load %arg6[%swap3A_299, %swap3A_300] {strides = array<i32>} : memref<104x512xf32, #tpu.memory_space<vmem>>, vector<16xf32>,
      tpu.vector_store %arg6[%swap3A_299, %swap3A_300], %broadcast_in_dim3A_3 {strides = array<i32>} : memref<104x512xf32, #tpu.memory_space<vmem>>, vector<16xf32>,
      %scan3A_302 = arith.constant 0 : i32
      %scan3A_303 = arith.constant 6 : i32
      %scan3A_304 = arith.addi %scan3A_26, %scan3A_303 : i32
      %jit3A_305 = arith.constant 32 : i32
      %div3A_306 = arith.divsi %scan3A_304, %jit3A_305 : i32
      %sign3A_307 = arith.constant 0 : i32
      %sign3A_308 = arith.cmpi sgt, %scan3A_304, %sign3A_307 : i32
      %sign3A_309 = arith.extui %sign3A_308 : i1 to i32
      %sign3A_310 = arith.constant 0 : i32
      %sign3A_311 = arith.cmpi slt, %scan3A_304, %sign3A_310 : i32
      %sign3A_312 = arith.extui %sign3A_311 : i1 to i32
      %sign3A_313 = arith.subi %sign3A_309, %sign3A_312 : i32
      %sign3A_314 = arith.constant 0 : i32
      %sign3A_315 = arith.cmpi sgt, %jit3A_305, %sign3A_314 : i32
      %sign3A_316 = arith.extui %sign3A_315 : i1 to i32
      %sign3A_317 = arith.constant 0 : i32
      %sign3A_318 = arith.cmpi slt, %jit3A_305, %sign3A_317 : i32
      %sign3A_319 = arith.extui %sign3A_318 : i1 to i32
      %sign3A_320 = arith.subi %sign3A_316, %sign3A_319 : i32
      %ne3A_321 = arith.cmpi ne, %sign3A_313, %sign3A_320 : i32
      %rem3A_322 = arith.remsi %scan3A_304, %jit3A_305 : i32
      %ne3A_323 = arith.constant 0 : i32
      %ne3A_324 = arith.cmpi ne, %rem3A_322, %ne3A_323 : i32
      %and3A_325 = arith.andi %ne3A_321, %ne3A_324 : i1
      %sub3A_326 = arith.constant 1 : i32
      %sub3A_327 = arith.subi %div3A_306, %sub3A_326 : i32
      %select_n3A_328 = arith.select %and3A_325, %sub3A_327, %div3A_306 : i32
      %jit3A_329 = arith.constant 32 : i32
      %eq3A_330 = arith.constant 0 : i32
      %eq3A_331 = arith.cmpi eq, %jit3A_329, %eq3A_330 : i32
      %jit3A_332 = arith.constant 1 : i32
      %select_n3A_333 = arith.select %eq3A_331, %jit3A_332, %jit3A_329 : i32
      %rem3A_334 = arith.remsi %scan3A_304, %select_n3A_333 : i32
      %ne3A_335 = arith.constant 0 : i32
      %ne3A_336 = arith.cmpi ne, %rem3A_334, %ne3A_335 : i32
      %lt3A_337 = arith.constant 0 : i32
      %lt3A_338 = arith.cmpi slt, %rem3A_334, %lt3A_337 : i32
      %lt3A_339 = arith.constant 0 : i32
      %lt3A_340 = arith.cmpi slt, %select_n3A_333, %lt3A_339 : i32
      %ne3A_341 = arith.xori %lt3A_338, %lt3A_340 : i1
      %and3A_342 = arith.andi %ne3A_341, %ne3A_336 : i1
      %add3A_343 = arith.addi %rem3A_334, %select_n3A_333 : i32
      %select_n3A_344 = arith.select %and3A_342, %add3A_343, %rem3A_334 : i32
      %mul3A_345 = arith.constant 16 : i32
      %mul3A_346 = arith.muli %select_n3A_344, %mul3A_345 : i32
      %swap3A_347 = arith.index_cast %select_n3A_328 : i32 to index
      %swap3A_348 = arith.index_cast %mul3A_346 : i32 to index
      %swap3A_349 = tpu.vector_load %arg6[%swap3A_347, %swap3A_348] {strides = array<i32>} : memref<104x512xf32, #tpu.memory_space<vmem>>, vector<16xf32>,
      tpu.vector_store %arg6[%swap3A_347, %swap3A_348], %broadcast_in_dim3A_3 {strides = array<i32>} : memref<104x512xf32, #tpu.memory_space<vmem>>, vector<16xf32>,
      %scan3A_350 = arith.constant 0 : i32
      %scan3A_351 = arith.constant 7 : i32
      %scan3A_352 = arith.addi %scan3A_26, %scan3A_351 : i32
      %jit3A_353 = arith.constant 32 : i32
      %div3A_354 = arith.divsi %scan3A_352, %jit3A_353 : i32
      %sign3A_355 = arith.constant 0 : i32
      %sign3A_356 = arith.cmpi sgt, %scan3A_352, %sign3A_355 : i32
      %sign3A_357 = arith.extui %sign3A_356 : i1 to i32
      %sign3A_358 = arith.constant 0 : i32
      %sign3A_359 = arith.cmpi slt, %scan3A_352, %sign3A_358 : i32
      %sign3A_360 = arith.extui %sign3A_359 : i1 to i32
      %sign3A_361 = arith.subi %sign3A_357, %sign3A_360 : i32
      %sign3A_362 = arith.constant 0 : i32
      %sign3A_363 = arith.cmpi sgt, %jit3A_353, %sign3A_362 : i32
      %sign3A_364 = arith.extui %sign3A_363 : i1 to i32
      %sign3A_365 = arith.constant 0 : i32
      %sign3A_366 = arith.cmpi slt, %jit3A_353, %sign3A_365 : i32
      %sign3A_367 = arith.extui %sign3A_366 : i1 to i32
      %sign3A_368 = arith.subi %sign3A_364, %sign3A_367 : i32
      %ne3A_369 = arith.cmpi ne, %sign3A_361, %sign3A_368 : i32
      %rem3A_370 = arith.remsi %scan3A_352, %jit3A_353 : i32
      %ne3A_371 = arith.constant 0 : i32
      %ne3A_372 = arith.cmpi ne, %rem3A_370, %ne3A_371 : i32
      %and3A_373 = arith.andi %ne3A_369, %ne3A_372 : i1
      %sub3A_374 = arith.constant 1 : i32
      %sub3A_375 = arith.subi %div3A_354, %sub3A_374 : i32
      %select_n3A_376 = arith.select %and3A_373, %sub3A_375, %div3A_354 : i32
      %jit3A_377 = arith.constant 32 : i32
      %eq3A_378 = arith.constant 0 : i32
      %eq3A_379 = arith.cmpi eq, %jit3A_377, %eq3A_378 : i32
      %jit3A_380 = arith.constant 1 : i32
      %select_n3A_381 = arith.select %eq3A_379, %jit3A_380, %jit3A_377 : i32
      %rem3A_382 = arith.remsi %scan3A_352, %select_n3A_381 : i32
      %ne3A_383 = arith.constant 0 : i32
      %ne3A_384 = arith.cmpi ne, %rem3A_382, %ne3A_383 : i32
      %lt3A_385 = arith.constant 0 : i32
      %lt3A_386 = arith.cmpi slt, %rem3A_382, %lt3A_385 : i32
      %lt3A_387 = arith.constant 0 : i32
      %lt3A_388 = arith.cmpi slt, %select_n3A_381, %lt3A_387 : i32
      %ne3A_389 = arith.xori %lt3A_386, %lt3A_388 : i1
      %and3A_390 = arith.andi %ne3A_389, %ne3A_384 : i1
      %add3A_391 = arith.addi %rem3A_382, %select_n3A_381 : i32
      %select_n3A_392 = arith.select %and3A_390, %add3A_391, %rem3A_382 : i32
      %mul3A_393 = arith.constant 16 : i32
      %mul3A_394 = arith.muli %select_n3A_392, %mul3A_393 : i32
      %swap3A_395 = arith.index_cast %select_n3A_376 : i32 to index
      %swap3A_396 = arith.index_cast %mul3A_394 : i32 to index
      %swap3A_397 = tpu.vector_load %arg6[%swap3A_395, %swap3A_396] {strides = array<i32>} : memref<104x512xf32, #tpu.memory_space<vmem>>, vector<16xf32>,
      tpu.vector_store %arg6[%swap3A_395, %swap3A_396], %broadcast_in_dim3A_3 {strides = array<i32>} : memref<104x512xf32, #tpu.memory_space<vmem>>, vector<16xf32>,
      %scan3A_398 = arith.constant 0 : i32
      scf.yield %scan3A_398 : i32
    }
    %scan3A_11 = arith.constant 3328 : i32
    %scan3A_12 = arith.constant 0 : i32
    %scan3A_13 = arith.constant 0 : i32
    %scan3A_14 = arith.constant 5 : i32
    %scan3A_15 = arith.addi %scan3A_13, %scan3A_14 : i32
    %scan3A_16 = arith.constant 1 : i32
    %scan3A_17 = scf.for %scan3A_26 = %scan3A_13 to %scan3A_15 step %scan3A_16 iter_args(%scan3A_27 = %scan3A_12) -> (i32)  : i32 {
      %mul3A_28 = arith.constant 200 : i32
      %mul3A_29 = arith.muli %scan3A_26, %mul3A_28 : i32
      %gt3A = arith.constant 0 : i32
      %gt3A_30 = arith.cmpi sgt, %scan3A_26, %gt3A : i32
      %convert_element_type3A = arith.extui %gt3A_30 : i1 to i32
      %cond3A = arith.constant 0 : i32
      %cond3A_31 = arith.cmpi ne, %convert_element_type3A, %cond3A : i32
      scf.if %cond3A_31 {
        %dma_wait3A_66 = arith.constant 0 : i32
        %dma_wait3A_67 = tpu.memref_slice %arg4[%dma_wait3A_66, %mul3A_2] : memref<1000x16384xf32, #tpu.memory_space<hbm>> -> memref<104x512xf32, #tpu.memory_space<hbm>>
        %dma_wait3A_68 = arith.constant 0 : i32
        %dma_wait3A_69 = tpu.memref_slice %arg4[%dma_wait3A_68, %mul3A_2] : memref<1000x16384xf32, #tpu.memory_space<hbm>> -> memref<104x512xf32, #tpu.memory_space<hbm>>
        tpu.wait_dma2 semaphore(%arg8 : memref<!tpu.dma_semaphore, #tpu.memory_space<semaphore_mem>>) src(%arg6 : memref<104x512xf32, #tpu.memory_space<vmem>>) dst(%dma_wait3A_69 : memref<104x512xf32, #tpu.memory_space<hbm>>)
      } else {
      }
      %sub3A = arith.constant 200 : i32
      %sub3A_32 = arith.subi %mul3A_29, %sub3A : i32
      %scan3A_33 = arith.constant 0 : i32
      %scan3A_34 = arith.constant 0 : i32
      %scan3A_35 = arith.constant 32 : i32
      %scan3A_36 = arith.addi %scan3A_34, %scan3A_35 : i32
      %scan3A_37 = arith.constant 4 : i32
      %scan3A_38 = scf.for %scan3A_66 = %scan3A_34 to %scan3A_36 step %scan3A_37 iter_args(%scan3A_67 = %scan3A_33) -> (i32)  : i32 {
        %mul3A_68 = arith.constant 16 : i32
        %mul3A_69 = arith.muli %scan3A_66, %mul3A_68 : i32
        %get3A = arith.index_cast %mul3A_69 : i32 to index
        %get3A_70 = tpu.vector_load %arg5[%get3A] {strides = array<i32>} : memref<512xi32, #tpu.memory_space<vmem>>, vector<16xi32>,
        %mul3A_71 = arith.constant 16 : i32
        %mul3A_72 = arith.muli %scan3A_66, %mul3A_71 : i32
        %add3A_73 = vector.broadcast %mul3A_72 : i32 to vector<16xi32>
        %add3A_74 = arith.addi %iota3A, %add3A_73 : vector<16xi32>
        %ge3A = vector.broadcast %sub3A_32 : i32 to vector<16xi32>
        %ge3A_75 = arith.cmpi sge, %get3A_70, %ge3A : vector<16xi32>
        %add3A_76 = arith.constant 104 : i32
        %add3A_77 = arith.addi %sub3A_32, %add3A_76 : i32
        %lt3A = vector.broadcast %add3A_77 : i32 to vector<16xi32>
        %lt3A_78 = arith.cmpi slt, %get3A_70, %lt3A : vector<16xi32>
        %and3A = arith.andi %ge3A_75, %lt3A_78 : vector<16xi1>
        %sub3A_79 = vector.broadcast %sub3A_32 : i32 to vector<16xi32>
        %sub3A_80 = arith.subi %get3A_70, %sub3A_79 : vector<16xi32>
        tpu.vector_store_idx %arg6[%sub3A_80, %add3A_74], %broadcast_in_dim3A_3 masked %and3A : memref<104x512xf32, #tpu.memory_space<vmem>>[vector<16xi32>, vector<16xi32>], vector<16xf32>, vector<16xi1>
        %ge3A_81 = vector.broadcast %mul3A_29 : i32 to vector<16xi32>
        %ge3A_82 = arith.cmpi sge, %get3A_70, %ge3A_81 : vector<16xi32>
        %add3A_83 = arith.constant 104 : i32
        %add3A_84 = arith.addi %mul3A_29, %add3A_83 : i32
        %lt3A_85 = vector.broadcast %add3A_84 : i32 to vector<16xi32>
        %lt3A_86 = arith.cmpi slt, %get3A_70, %lt3A_85 : vector<16xi32>
        %and3A_87 = arith.andi %ge3A_82, %lt3A_86 : vector<16xi1>
        %sub3A_88 = vector.broadcast %mul3A_29 : i32 to vector<16xi32>
        %sub3A_89 = arith.subi %get3A_70, %sub3A_88 : vector<16xi32>
        tpu.vector_store_idx %arg6[%sub3A_89, %add3A_74], %broadcast_in_dim3A_5 masked %and3A_87 : memref<104x512xf32, #tpu.memory_space<vmem>>[vector<16xi32>, vector<16xi32>], vector<16xf32>, vector<16xi1>
        %scan3A_90 = arith.constant 0 : i32
        %scan3A_91 = arith.constant 1 : i32
        %scan3A_92 = arith.addi %scan3A_66, %scan3A_91 : i32
        %mul3A_93 = arith.constant 16 : i32
        %mul3A_94 = arith.muli %scan3A_92, %mul3A_93 : i32
        %get3A_95 = arith.index_cast %mul3A_94 : i32 to index
        %get3A_96 = tpu.vector_load %arg5[%get3A_95] {strides = array<i32>} : memref<512xi32, #tpu.memory_space<vmem>>, vector<16xi32>,
        %mul3A_97 = arith.constant 16 : i32
        %mul3A_98 = arith.muli %scan3A_92, %mul3A_97 : i32
        %add3A_99 = vector.broadcast %mul3A_98 : i32 to vector<16xi32>
        %add3A_100 = arith.addi %iota3A, %add3A_99 : vector<16xi32>
        %ge3A_101 = vector.broadcast %sub3A_32 : i32 to vector<16xi32>
        %ge3A_102 = arith.cmpi sge, %get3A_96, %ge3A_101 : vector<16xi32>
        %add3A_103 = arith.constant 104 : i32
        %add3A_104 = arith.addi %sub3A_32, %add3A_103 : i32
        %lt3A_105 = vector.broadcast %add3A_104 : i32 to vector<16xi32>
        %lt3A_106 = arith.cmpi slt, %get3A_96, %lt3A_105 : vector<16xi32>
        %and3A_107 = arith.andi %ge3A_102, %lt3A_106 : vector<16xi1>
        %sub3A_108 = vector.broadcast %sub3A_32 : i32 to vector<16xi32>
        %sub3A_109 = arith.subi %get3A_96, %sub3A_108 : vector<16xi32>
        tpu.vector_store_idx %arg6[%sub3A_109, %add3A_100], %broadcast_in_dim3A_3 masked %and3A_107 : memref<104x512xf32, #tpu.memory_space<vmem>>[vector<16xi32>, vector<16xi32>], vector<16xf32>, vector<16xi1>
        %ge3A_110 = vector.broadcast %mul3A_29 : i32 to vector<16xi32>
        %ge3A_111 = arith.cmpi sge, %get3A_96, %ge3A_110 : vector<16xi32>
        %add3A_112 = arith.constant 104 : i32
        %add3A_113 = arith.addi %mul3A_29, %add3A_112 : i32
        %lt3A_114 = vector.broadcast %add3A_113 : i32 to vector<16xi32>
        %lt3A_115 = arith.cmpi slt, %get3A_96, %lt3A_114 : vector<16xi32>
        %and3A_116 = arith.andi %ge3A_111, %lt3A_115 : vector<16xi1>
        %sub3A_117 = vector.broadcast %mul3A_29 : i32 to vector<16xi32>
        %sub3A_118 = arith.subi %get3A_96, %sub3A_117 : vector<16xi32>
        tpu.vector_store_idx %arg6[%sub3A_118, %add3A_100], %broadcast_in_dim3A_5 masked %and3A_116 : memref<104x512xf32, #tpu.memory_space<vmem>>[vector<16xi32>, vector<16xi32>], vector<16xf32>, vector<16xi1>
        %scan3A_119 = arith.constant 0 : i32
        %scan3A_120 = arith.constant 2 : i32
        %scan3A_121 = arith.addi %scan3A_66, %scan3A_120 : i32
        %mul3A_122 = arith.constant 16 : i32
        %mul3A_123 = arith.muli %scan3A_121, %mul3A_122 : i32
        %get3A_124 = arith.index_cast %mul3A_123 : i32 to index
        %get3A_125 = tpu.vector_load %arg5[%get3A_124] {strides = array<i32>} : memref<512xi32, #tpu.memory_space<vmem>>, vector<16xi32>,
        %mul3A_126 = arith.constant 16 : i32
        %mul3A_127 = arith.muli %scan3A_121, %mul3A_126 : i32
        %add3A_128 = vector.broadcast %mul3A_127 : i32 to vector<16xi32>
        %add3A_129 = arith.addi %iota3A, %add3A_128 : vector<16xi32>
        %ge3A_130 = vector.broadcast %sub3A_32 : i32 to vector<16xi32>
        %ge3A_131 = arith.cmpi sge, %get3A_125, %ge3A_130 : vector<16xi32>
        %add3A_132 = arith.constant 104 : i32
        %add3A_133 = arith.addi %sub3A_32, %add3A_132 : i32
        %lt3A_134 = vector.broadcast %add3A_133 : i32 to vector<16xi32>
        %lt3A_135 = arith.cmpi slt, %get3A_125, %lt3A_134 : vector<16xi32>
        %and3A_136 = arith.andi %ge3A_131, %lt3A_135 : vector<16xi1>
        %sub3A_137 = vector.broadcast %sub3A_32 : i32 to vector<16xi32>
        %sub3A_138 = arith.subi %get3A_125, %sub3A_137 : vector<16xi32>
        tpu.vector_store_idx %arg6[%sub3A_138, %add3A_129], %broadcast_in_dim3A_3 masked %and3A_136 : memref<104x512xf32, #tpu.memory_space<vmem>>[vector<16xi32>, vector<16xi32>], vector<16xf32>, vector<16xi1>
        %ge3A_139 = vector.broadcast %mul3A_29 : i32 to vector<16xi32>
        %ge3A_140 = arith.cmpi sge, %get3A_125, %ge3A_139 : vector<16xi32>
        %add3A_141 = arith.constant 104 : i32
        %add3A_142 = arith.addi %mul3A_29, %add3A_141 : i32
        %lt3A_143 = vector.broadcast %add3A_142 : i32 to vector<16xi32>
        %lt3A_144 = arith.cmpi slt, %get3A_125, %lt3A_143 : vector<16xi32>
        %and3A_145 = arith.andi %ge3A_140, %lt3A_144 : vector<16xi1>
        %sub3A_146 = vector.broadcast %mul3A_29 : i32 to vector<16xi32>
        %sub3A_147 = arith.subi %get3A_125, %sub3A_146 : vector<16xi32>
        tpu.vector_store_idx %arg6[%sub3A_147, %add3A_129], %broadcast_in_dim3A_5 masked %and3A_145 : memref<104x512xf32, #tpu.memory_space<vmem>>[vector<16xi32>, vector<16xi32>], vector<16xf32>, vector<16xi1>
        %scan3A_148 = arith.constant 0 : i32
        %scan3A_149 = arith.constant 3 : i32
        %scan3A_150 = arith.addi %scan3A_66, %scan3A_149 : i32
        %mul3A_151 = arith.constant 16 : i32
        %mul3A_152 = arith.muli %scan3A_150, %mul3A_151 : i32
        %get3A_153 = arith.index_cast %mul3A_152 : i32 to index
        %get3A_154 = tpu.vector_load %arg5[%get3A_153] {strides = array<i32>} : memref<512xi32, #tpu.memory_space<vmem>>, vector<16xi32>,
        %mul3A_155 = arith.constant 16 : i32
        %mul3A_156 = arith.muli %scan3A_150, %mul3A_155 : i32
        %add3A_157 = vector.broadcast %mul3A_156 : i32 to vector<16xi32>
        %add3A_158 = arith.addi %iota3A, %add3A_157 : vector<16xi32>
        %ge3A_159 = vector.broadcast %sub3A_32 : i32 to vector<16xi32>
        %ge3A_160 = arith.cmpi sge, %get3A_154, %ge3A_159 : vector<16xi32>
        %add3A_161 = arith.constant 104 : i32
        %add3A_162 = arith.addi %sub3A_32, %add3A_161 : i32
        %lt3A_163 = vector.broadcast %add3A_162 : i32 to vector<16xi32>
        %lt3A_164 = arith.cmpi slt, %get3A_154, %lt3A_163 : vector<16xi32>
        %and3A_165 = arith.andi %ge3A_160, %lt3A_164 : vector<16xi1>
        %sub3A_166 = vector.broadcast %sub3A_32 : i32 to vector<16xi32>
        %sub3A_167 = arith.subi %get3A_154, %sub3A_166 : vector<16xi32>
        tpu.vector_store_idx %arg6[%sub3A_167, %add3A_158], %broadcast_in_dim3A_3 masked %and3A_165 : memref<104x512xf32, #tpu.memory_space<vmem>>[vector<16xi32>, vector<16xi32>], vector<16xf32>, vector<16xi1>
        %ge3A_168 = vector.broadcast %mul3A_29 : i32 to vector<16xi32>
        %ge3A_169 = arith.cmpi sge, %get3A_154, %ge3A_168 : vector<16xi32>
        %add3A_170 = arith.constant 104 : i32
        %add3A_171 = arith.addi %mul3A_29, %add3A_170 : i32
        %lt3A_172 = vector.broadcast %add3A_171 : i32 to vector<16xi32>
        %lt3A_173 = arith.cmpi slt, %get3A_154, %lt3A_172 : vector<16xi32>
        %and3A_174 = arith.andi %ge3A_169, %lt3A_173 : vector<16xi1>
        %sub3A_175 = vector.broadcast %mul3A_29 : i32 to vector<16xi32>
        %sub3A_176 = arith.subi %get3A_154, %sub3A_175 : vector<16xi32>
        tpu.vector_store_idx %arg6[%sub3A_176, %add3A_158], %broadcast_in_dim3A_5 masked %and3A_174 : memref<104x512xf32, #tpu.memory_space<vmem>>[vector<16xi32>, vector<16xi32>], vector<16xf32>, vector<16xi1>
        %scan3A_177 = arith.constant 0 : i32
        scf.yield %scan3A_177 : i32
      }
      %scan3A_39 = arith.constant 32 : i32
      %dma_start3A = tpu.memref_slice %arg4[%mul3A_29, %mul3A_2] : memref<1000x16384xf32, #tpu.memory_space<hbm>> -> memref<104x512xf32, #tpu.memory_space<hbm>>
      %dma_start3A_40 = tpu.memref_slice %arg4[%mul3A_29, %mul3A_2] : memref<1000x16384xf32, #tpu.memory_space<hbm>> -> memref<104x512xf32, #tpu.memory_space<hbm>>
      tpu.enqueue_dma source(%arg6 : memref<104x512xf32, #tpu.memory_space<vmem>>) target(%dma_start3A_40 : memref<104x512xf32, #tpu.memory_space<hbm>>) target_semaphore(%arg8 : memref<!tpu.dma_semaphore, #tpu.memory_space<semaphore_mem>>)
      %eq3A = arith.constant 0 : i32
      %eq3A_41 = arith.cmpi eq, %scan3A_26, %eq3A : i32
      %convert_element_type3A_42 = arith.extui %eq3A_41 : i1 to i32
      %cond3A_43 = arith.constant 0 : i32
      %cond3A_44 = arith.cmpi ne, %convert_element_type3A_42, %cond3A_43 : i32
      scf.if %cond3A_44 {
        %scan3A_66 = arith.constant 0 : i32
        %scan3A_67 = arith.constant 0 : i32
        %scan3A_68 = arith.constant 3072 : i32
        %scan3A_69 = arith.addi %scan3A_67, %scan3A_68 : i32
        %scan3A_70 = arith.constant 8 : i32
        %scan3A_71 = scf.for %scan3A_73 = %scan3A_67 to %scan3A_69 step %scan3A_70 iter_args(%scan3A_74 = %scan3A_66) -> (i32)  : i32 {
          %jit3A = arith.constant 32 : i32
          %div3A = arith.divsi %scan3A_73, %jit3A : i32
          %sign3A = arith.constant 0 : i32
          %sign3A_75 = arith.cmpi sgt, %scan3A_73, %sign3A : i32
          %sign3A_76 = arith.extui %sign3A_75 : i1 to i32
          %sign3A_77 = arith.constant 0 : i32
          %sign3A_78 = arith.cmpi slt, %scan3A_73, %sign3A_77 : i32
          %sign3A_79 = arith.extui %sign3A_78 : i1 to i32
          %sign3A_80 = arith.subi %sign3A_76, %sign3A_79 : i32
          %sign3A_81 = arith.constant 0 : i32
          %sign3A_82 = arith.cmpi sgt, %jit3A, %sign3A_81 : i32
          %sign3A_83 = arith.extui %sign3A_82 : i1 to i32
          %sign3A_84 = arith.constant 0 : i32
          %sign3A_85 = arith.cmpi slt, %jit3A, %sign3A_84 : i32
          %sign3A_86 = arith.extui %sign3A_85 : i1 to i32
          %sign3A_87 = arith.subi %sign3A_83, %sign3A_86 : i32
          %ne3A = arith.cmpi ne, %sign3A_80, %sign3A_87 : i32
          %rem3A = arith.remsi %scan3A_73, %jit3A : i32
          %ne3A_88 = arith.constant 0 : i32
          %ne3A_89 = arith.cmpi ne, %rem3A, %ne3A_88 : i32
          %and3A = arith.andi %ne3A, %ne3A_89 : i1
          %sub3A_90 = arith.constant 1 : i32
          %sub3A_91 = arith.subi %div3A, %sub3A_90 : i32
          %select_n3A = arith.select %and3A, %sub3A_91, %div3A : i32
          %jit3A_92 = arith.constant 32 : i32
          %eq3A_93 = arith.constant 0 : i32
          %eq3A_94 = arith.cmpi eq, %jit3A_92, %eq3A_93 : i32
          %jit3A_95 = arith.constant 1 : i32
          %select_n3A_96 = arith.select %eq3A_94, %jit3A_95, %jit3A_92 : i32
          %rem3A_97 = arith.remsi %scan3A_73, %select_n3A_96 : i32
          %ne3A_98 = arith.constant 0 : i32
          %ne3A_99 = arith.cmpi ne, %rem3A_97, %ne3A_98 : i32
          %lt3A = arith.constant 0 : i32
          %lt3A_100 = arith.cmpi slt, %rem3A_97, %lt3A : i32
          %lt3A_101 = arith.constant 0 : i32
          %lt3A_102 = arith.cmpi slt, %select_n3A_96, %lt3A_101 : i32
          %ne3A_103 = arith.xori %lt3A_100, %lt3A_102 : i1
          %and3A_104 = arith.andi %ne3A_103, %ne3A_99 : i1
          %add3A_105 = arith.addi %rem3A_97, %select_n3A_96 : i32
          %select_n3A_106 = arith.select %and3A_104, %add3A_105, %rem3A_97 : i32
          %mul3A_107 = arith.constant 16 : i32
          %mul3A_108 = arith.muli %select_n3A_106, %mul3A_107 : i32
          %swap3A = arith.index_cast %select_n3A : i32 to index
          %swap3A_109 = arith.index_cast %mul3A_108 : i32 to index
          %swap3A_110 = tpu.vector_load %arg7[%swap3A, %swap3A_109] {strides = array<i32>} : memref<96x512xf32, #tpu.memory_space<vmem>>, vector<16xf32>,
          tpu.vector_store %arg7[%swap3A, %swap3A_109], %broadcast_in_dim3A_3 {strides = array<i32>} : memref<96x512xf32, #tpu.memory_space<vmem>>, vector<16xf32>,
          %scan3A_111 = arith.constant 0 : i32
          %scan3A_112 = arith.constant 1 : i32
          %scan3A_113 = arith.addi %scan3A_73, %scan3A_112 : i32
          %jit3A_114 = arith.constant 32 : i32
          %div3A_115 = arith.divsi %scan3A_113, %jit3A_114 : i32
          %sign3A_116 = arith.constant 0 : i32
          %sign3A_117 = arith.cmpi sgt, %scan3A_113, %sign3A_116 : i32
          %sign3A_118 = arith.extui %sign3A_117 : i1 to i32
          %sign3A_119 = arith.constant 0 : i32
          %sign3A_120 = arith.cmpi slt, %scan3A_113, %sign3A_119 : i32
          %sign3A_121 = arith.extui %sign3A_120 : i1 to i32
          %sign3A_122 = arith.subi %sign3A_118, %sign3A_121 : i32
          %sign3A_123 = arith.constant 0 : i32
          %sign3A_124 = arith.cmpi sgt, %jit3A_114, %sign3A_123 : i32
          %sign3A_125 = arith.extui %sign3A_124 : i1 to i32
          %sign3A_126 = arith.constant 0 : i32
          %sign3A_127 = arith.cmpi slt, %jit3A_114, %sign3A_126 : i32
          %sign3A_128 = arith.extui %sign3A_127 : i1 to i32
          %sign3A_129 = arith.subi %sign3A_125, %sign3A_128 : i32
          %ne3A_130 = arith.cmpi ne, %sign3A_122, %sign3A_129 : i32
          %rem3A_131 = arith.remsi %scan3A_113, %jit3A_114 : i32
          %ne3A_132 = arith.constant 0 : i32
          %ne3A_133 = arith.cmpi ne, %rem3A_131, %ne3A_132 : i32
          %and3A_134 = arith.andi %ne3A_130, %ne3A_133 : i1
          %sub3A_135 = arith.constant 1 : i32
          %sub3A_136 = arith.subi %div3A_115, %sub3A_135 : i32
          %select_n3A_137 = arith.select %and3A_134, %sub3A_136, %div3A_115 : i32
          %jit3A_138 = arith.constant 32 : i32
          %eq3A_139 = arith.constant 0 : i32
          %eq3A_140 = arith.cmpi eq, %jit3A_138, %eq3A_139 : i32
          %jit3A_141 = arith.constant 1 : i32
          %select_n3A_142 = arith.select %eq3A_140, %jit3A_141, %jit3A_138 : i32
          %rem3A_143 = arith.remsi %scan3A_113, %select_n3A_142 : i32
          %ne3A_144 = arith.constant 0 : i32
          %ne3A_145 = arith.cmpi ne, %rem3A_143, %ne3A_144 : i32
          %lt3A_146 = arith.constant 0 : i32
          %lt3A_147 = arith.cmpi slt, %rem3A_143, %lt3A_146 : i32
          %lt3A_148 = arith.constant 0 : i32
          %lt3A_149 = arith.cmpi slt, %select_n3A_142, %lt3A_148 : i32
          %ne3A_150 = arith.xori %lt3A_147, %lt3A_149 : i1
          %and3A_151 = arith.andi %ne3A_150, %ne3A_145 : i1
          %add3A_152 = arith.addi %rem3A_143, %select_n3A_142 : i32
          %select_n3A_153 = arith.select %and3A_151, %add3A_152, %rem3A_143 : i32
          %mul3A_154 = arith.constant 16 : i32
          %mul3A_155 = arith.muli %select_n3A_153, %mul3A_154 : i32
          %swap3A_156 = arith.index_cast %select_n3A_137 : i32 to index
          %swap3A_157 = arith.index_cast %mul3A_155 : i32 to index
          %swap3A_158 = tpu.vector_load %arg7[%swap3A_156, %swap3A_157] {strides = array<i32>} : memref<96x512xf32, #tpu.memory_space<vmem>>, vector<16xf32>,
          tpu.vector_store %arg7[%swap3A_156, %swap3A_157], %broadcast_in_dim3A_3 {strides = array<i32>} : memref<96x512xf32, #tpu.memory_space<vmem>>, vector<16xf32>,
          %scan3A_159 = arith.constant 0 : i32
          %scan3A_160 = arith.constant 2 : i32
          %scan3A_161 = arith.addi %scan3A_73, %scan3A_160 : i32
          %jit3A_162 = arith.constant 32 : i32
          %div3A_163 = arith.divsi %scan3A_161, %jit3A_162 : i32
          %sign3A_164 = arith.constant 0 : i32
          %sign3A_165 = arith.cmpi sgt, %scan3A_161, %sign3A_164 : i32
          %sign3A_166 = arith.extui %sign3A_165 : i1 to i32
          %sign3A_167 = arith.constant 0 : i32
          %sign3A_168 = arith.cmpi slt, %scan3A_161, %sign3A_167 : i32
          %sign3A_169 = arith.extui %sign3A_168 : i1 to i32
          %sign3A_170 = arith.subi %sign3A_166, %sign3A_169 : i32
          %sign3A_171 = arith.constant 0 : i32
          %sign3A_172 = arith.cmpi sgt, %jit3A_162, %sign3A_171 : i32
          %sign3A_173 = arith.extui %sign3A_172 : i1 to i32
          %sign3A_174 = arith.constant 0 : i32
          %sign3A_175 = arith.cmpi slt, %jit3A_162, %sign3A_174 : i32
          %sign3A_176 = arith.extui %sign3A_175 : i1 to i32
          %sign3A_177 = arith.subi %sign3A_173, %sign3A_176 : i32
          %ne3A_178 = arith.cmpi ne, %sign3A_170, %sign3A_177 : i32
          %rem3A_179 = arith.remsi %scan3A_161, %jit3A_162 : i32
          %ne3A_180 = arith.constant 0 : i32
          %ne3A_181 = arith.cmpi ne, %rem3A_179, %ne3A_180 : i32
          %and3A_182 = arith.andi %ne3A_178, %ne3A_181 : i1
          %sub3A_183 = arith.constant 1 : i32
          %sub3A_184 = arith.subi %div3A_163, %sub3A_183 : i32
          %select_n3A_185 = arith.select %and3A_182, %sub3A_184, %div3A_163 : i32
          %jit3A_186 = arith.constant 32 : i32
          %eq3A_187 = arith.constant 0 : i32
          %eq3A_188 = arith.cmpi eq, %jit3A_186, %eq3A_187 : i32
          %jit3A_189 = arith.constant 1 : i32
          %select_n3A_190 = arith.select %eq3A_188, %jit3A_189, %jit3A_186 : i32
          %rem3A_191 = arith.remsi %scan3A_161, %select_n3A_190 : i32
          %ne3A_192 = arith.constant 0 : i32
          %ne3A_193 = arith.cmpi ne, %rem3A_191, %ne3A_192 : i32
          %lt3A_194 = arith.constant 0 : i32
          %lt3A_195 = arith.cmpi slt, %rem3A_191, %lt3A_194 : i32
          %lt3A_196 = arith.constant 0 : i32
          %lt3A_197 = arith.cmpi slt, %select_n3A_190, %lt3A_196 : i32
          %ne3A_198 = arith.xori %lt3A_195, %lt3A_197 : i1
          %and3A_199 = arith.andi %ne3A_198, %ne3A_193 : i1
          %add3A_200 = arith.addi %rem3A_191, %select_n3A_190 : i32
          %select_n3A_201 = arith.select %and3A_199, %add3A_200, %rem3A_191 : i32
          %mul3A_202 = arith.constant 16 : i32
          %mul3A_203 = arith.muli %select_n3A_201, %mul3A_202 : i32
          %swap3A_204 = arith.index_cast %select_n3A_185 : i32 to index
          %swap3A_205 = arith.index_cast %mul3A_203 : i32 to index
          %swap3A_206 = tpu.vector_load %arg7[%swap3A_204, %swap3A_205] {strides = array<i32>} : memref<96x512xf32, #tpu.memory_space<vmem>>, vector<16xf32>,
          tpu.vector_store %arg7[%swap3A_204, %swap3A_205], %broadcast_in_dim3A_3 {strides = array<i32>} : memref<96x512xf32, #tpu.memory_space<vmem>>, vector<16xf32>,
          %scan3A_207 = arith.constant 0 : i32
          %scan3A_208 = arith.constant 3 : i32
          %scan3A_209 = arith.addi %scan3A_73, %scan3A_208 : i32
          %jit3A_210 = arith.constant 32 : i32
          %div3A_211 = arith.divsi %scan3A_209, %jit3A_210 : i32
          %sign3A_212 = arith.constant 0 : i32
          %sign3A_213 = arith.cmpi sgt, %scan3A_209, %sign3A_212 : i32
          %sign3A_214 = arith.extui %sign3A_213 : i1 to i32
          %sign3A_215 = arith.constant 0 : i32
          %sign3A_216 = arith.cmpi slt, %scan3A_209, %sign3A_215 : i32
          %sign3A_217 = arith.extui %sign3A_216 : i1 to i32
          %sign3A_218 = arith.subi %sign3A_214, %sign3A_217 : i32
          %sign3A_219 = arith.constant 0 : i32
          %sign3A_220 = arith.cmpi sgt, %jit3A_210, %sign3A_219 : i32
          %sign3A_221 = arith.extui %sign3A_220 : i1 to i32
          %sign3A_222 = arith.constant 0 : i32
          %sign3A_223 = arith.cmpi slt, %jit3A_210, %sign3A_222 : i32
          %sign3A_224 = arith.extui %sign3A_223 : i1 to i32
          %sign3A_225 = arith.subi %sign3A_221, %sign3A_224 : i32
          %ne3A_226 = arith.cmpi ne, %sign3A_218, %sign3A_225 : i32
          %rem3A_227 = arith.remsi %scan3A_209, %jit3A_210 : i32
          %ne3A_228 = arith.constant 0 : i32
          %ne3A_229 = arith.cmpi ne, %rem3A_227, %ne3A_228 : i32
          %and3A_230 = arith.andi %ne3A_226, %ne3A_229 : i1
          %sub3A_231 = arith.constant 1 : i32
          %sub3A_232 = arith.subi %div3A_211, %sub3A_231 : i32
          %select_n3A_233 = arith.select %and3A_230, %sub3A_232, %div3A_211 : i32
          %jit3A_234 = arith.constant 32 : i32
          %eq3A_235 = arith.constant 0 : i32
          %eq3A_236 = arith.cmpi eq, %jit3A_234, %eq3A_235 : i32
          %jit3A_237 = arith.constant 1 : i32
          %select_n3A_238 = arith.select %eq3A_236, %jit3A_237, %jit3A_234 : i32
          %rem3A_239 = arith.remsi %scan3A_209, %select_n3A_238 : i32
          %ne3A_240 = arith.constant 0 : i32
          %ne3A_241 = arith.cmpi ne, %rem3A_239, %ne3A_240 : i32
          %lt3A_242 = arith.constant 0 : i32
          %lt3A_243 = arith.cmpi slt, %rem3A_239, %lt3A_242 : i32
          %lt3A_244 = arith.constant 0 : i32
          %lt3A_245 = arith.cmpi slt, %select_n3A_238, %lt3A_244 : i32
          %ne3A_246 = arith.xori %lt3A_243, %lt3A_245 : i1
          %and3A_247 = arith.andi %ne3A_246, %ne3A_241 : i1
          %add3A_248 = arith.addi %rem3A_239, %select_n3A_238 : i32
          %select_n3A_249 = arith.select %and3A_247, %add3A_248, %rem3A_239 : i32
          %mul3A_250 = arith.constant 16 : i32
          %mul3A_251 = arith.muli %select_n3A_249, %mul3A_250 : i32
          %swap3A_252 = arith.index_cast %select_n3A_233 : i32 to index
          %swap3A_253 = arith.index_cast %mul3A_251 : i32 to index
          %swap3A_254 = tpu.vector_load %arg7[%swap3A_252, %swap3A_253] {strides = array<i32>} : memref<96x512xf32, #tpu.memory_space<vmem>>, vector<16xf32>,
          tpu.vector_store %arg7[%swap3A_252, %swap3A_253], %broadcast_in_dim3A_3 {strides = array<i32>} : memref<96x512xf32, #tpu.memory_space<vmem>>, vector<16xf32>,
          %scan3A_255 = arith.constant 0 : i32
          %scan3A_256 = arith.constant 4 : i32
          %scan3A_257 = arith.addi %scan3A_73, %scan3A_256 : i32
          %jit3A_258 = arith.constant 32 : i32
          %div3A_259 = arith.divsi %scan3A_257, %jit3A_258 : i32
          %sign3A_260 = arith.constant 0 : i32
          %sign3A_261 = arith.cmpi sgt, %scan3A_257, %sign3A_260 : i32
          %sign3A_262 = arith.extui %sign3A_261 : i1 to i32
          %sign3A_263 = arith.constant 0 : i32
          %sign3A_264 = arith.cmpi slt, %scan3A_257, %sign3A_263 : i32
          %sign3A_265 = arith.extui %sign3A_264 : i1 to i32
          %sign3A_266 = arith.subi %sign3A_262, %sign3A_265 : i32
          %sign3A_267 = arith.constant 0 : i32
          %sign3A_268 = arith.cmpi sgt, %jit3A_258, %sign3A_267 : i32
          %sign3A_269 = arith.extui %sign3A_268 : i1 to i32
          %sign3A_270 = arith.constant 0 : i32
          %sign3A_271 = arith.cmpi slt, %jit3A_258, %sign3A_270 : i32
          %sign3A_272 = arith.extui %sign3A_271 : i1 to i32
          %sign3A_273 = arith.subi %sign3A_269, %sign3A_272 : i32
          %ne3A_274 = arith.cmpi ne, %sign3A_266, %sign3A_273 : i32
          %rem3A_275 = arith.remsi %scan3A_257, %jit3A_258 : i32
          %ne3A_276 = arith.constant 0 : i32
          %ne3A_277 = arith.cmpi ne, %rem3A_275, %ne3A_276 : i32
          %and3A_278 = arith.andi %ne3A_274, %ne3A_277 : i1
          %sub3A_279 = arith.constant 1 : i32
          %sub3A_280 = arith.subi %div3A_259, %sub3A_279 : i32
          %select_n3A_281 = arith.select %and3A_278, %sub3A_280, %div3A_259 : i32
          %jit3A_282 = arith.constant 32 : i32
          %eq3A_283 = arith.constant 0 : i32
          %eq3A_284 = arith.cmpi eq, %jit3A_282, %eq3A_283 : i32
          %jit3A_285 = arith.constant 1 : i32
          %select_n3A_286 = arith.select %eq3A_284, %jit3A_285, %jit3A_282 : i32
          %rem3A_287 = arith.remsi %scan3A_257, %select_n3A_286 : i32
          %ne3A_288 = arith.constant 0 : i32
          %ne3A_289 = arith.cmpi ne, %rem3A_287, %ne3A_288 : i32
          %lt3A_290 = arith.constant 0 : i32
          %lt3A_291 = arith.cmpi slt, %rem3A_287, %lt3A_290 : i32
          %lt3A_292 = arith.constant 0 : i32
          %lt3A_293 = arith.cmpi slt, %select_n3A_286, %lt3A_292 : i32
          %ne3A_294 = arith.xori %lt3A_291, %lt3A_293 : i1
          %and3A_295 = arith.andi %ne3A_294, %ne3A_289 : i1
          %add3A_296 = arith.addi %rem3A_287, %select_n3A_286 : i32
          %select_n3A_297 = arith.select %and3A_295, %add3A_296, %rem3A_287 : i32
          %mul3A_298 = arith.constant 16 : i32
          %mul3A_299 = arith.muli %select_n3A_297, %mul3A_298 : i32
          %swap3A_300 = arith.index_cast %select_n3A_281 : i32 to index
          %swap3A_301 = arith.index_cast %mul3A_299 : i32 to index
          %swap3A_302 = tpu.vector_load %arg7[%swap3A_300, %swap3A_301] {strides = array<i32>} : memref<96x512xf32, #tpu.memory_space<vmem>>, vector<16xf32>,
          tpu.vector_store %arg7[%swap3A_300, %swap3A_301], %broadcast_in_dim3A_3 {strides = array<i32>} : memref<96x512xf32, #tpu.memory_space<vmem>>, vector<16xf32>,
          %scan3A_303 = arith.constant 0 : i32
          %scan3A_304 = arith.constant 5 : i32
          %scan3A_305 = arith.addi %scan3A_73, %scan3A_304 : i32
          %jit3A_306 = arith.constant 32 : i32
          %div3A_307 = arith.divsi %scan3A_305, %jit3A_306 : i32
          %sign3A_308 = arith.constant 0 : i32
          %sign3A_309 = arith.cmpi sgt, %scan3A_305, %sign3A_308 : i32
          %sign3A_310 = arith.extui %sign3A_309 : i1 to i32
          %sign3A_311 = arith.constant 0 : i32
          %sign3A_312 = arith.cmpi slt, %scan3A_305, %sign3A_311 : i32
          %sign3A_313 = arith.extui %sign3A_312 : i1 to i32
          %sign3A_314 = arith.subi %sign3A_310, %sign3A_313 : i32
          %sign3A_315 = arith.constant 0 : i32
          %sign3A_316 = arith.cmpi sgt, %jit3A_306, %sign3A_315 : i32
          %sign3A_317 = arith.extui %sign3A_316 : i1 to i32
          %sign3A_318 = arith.constant 0 : i32
          %sign3A_319 = arith.cmpi slt, %jit3A_306, %sign3A_318 : i32
          %sign3A_320 = arith.extui %sign3A_319 : i1 to i32
          %sign3A_321 = arith.subi %sign3A_317, %sign3A_320 : i32
          %ne3A_322 = arith.cmpi ne, %sign3A_314, %sign3A_321 : i32
          %rem3A_323 = arith.remsi %scan3A_305, %jit3A_306 : i32
          %ne3A_324 = arith.constant 0 : i32
          %ne3A_325 = arith.cmpi ne, %rem3A_323, %ne3A_324 : i32
          %and3A_326 = arith.andi %ne3A_322, %ne3A_325 : i1
          %sub3A_327 = arith.constant 1 : i32
          %sub3A_328 = arith.subi %div3A_307, %sub3A_327 : i32
          %select_n3A_329 = arith.select %and3A_326, %sub3A_328, %div3A_307 : i32
          %jit3A_330 = arith.constant 32 : i32
          %eq3A_331 = arith.constant 0 : i32
          %eq3A_332 = arith.cmpi eq, %jit3A_330, %eq3A_331 : i32
          %jit3A_333 = arith.constant 1 : i32
          %select_n3A_334 = arith.select %eq3A_332, %jit3A_333, %jit3A_330 : i32
          %rem3A_335 = arith.remsi %scan3A_305, %select_n3A_334 : i32
          %ne3A_336 = arith.constant 0 : i32
          %ne3A_337 = arith.cmpi ne, %rem3A_335, %ne3A_336 : i32
          %lt3A_338 = arith.constant 0 : i32
          %lt3A_339 = arith.cmpi slt, %rem3A_335, %lt3A_338 : i32
          %lt3A_340 = arith.constant 0 : i32
          %lt3A_341 = arith.cmpi slt, %select_n3A_334, %lt3A_340 : i32
          %ne3A_342 = arith.xori %lt3A_339, %lt3A_341 : i1
          %and3A_343 = arith.andi %ne3A_342, %ne3A_337 : i1
          %add3A_344 = arith.addi %rem3A_335, %select_n3A_334 : i32
          %select_n3A_345 = arith.select %and3A_343, %add3A_344, %rem3A_335 : i32
          %mul3A_346 = arith.constant 16 : i32
          %mul3A_347 = arith.muli %select_n3A_345, %mul3A_346 : i32
          %swap3A_348 = arith.index_cast %select_n3A_329 : i32 to index
          %swap3A_349 = arith.index_cast %mul3A_347 : i32 to index
          %swap3A_350 = tpu.vector_load %arg7[%swap3A_348, %swap3A_349] {strides = array<i32>} : memref<96x512xf32, #tpu.memory_space<vmem>>, vector<16xf32>,
          tpu.vector_store %arg7[%swap3A_348, %swap3A_349], %broadcast_in_dim3A_3 {strides = array<i32>} : memref<96x512xf32, #tpu.memory_space<vmem>>, vector<16xf32>,
          %scan3A_351 = arith.constant 0 : i32
          %scan3A_352 = arith.constant 6 : i32
          %scan3A_353 = arith.addi %scan3A_73, %scan3A_352 : i32
          %jit3A_354 = arith.constant 32 : i32
          %div3A_355 = arith.divsi %scan3A_353, %jit3A_354 : i32
          %sign3A_356 = arith.constant 0 : i32
          %sign3A_357 = arith.cmpi sgt, %scan3A_353, %sign3A_356 : i32
          %sign3A_358 = arith.extui %sign3A_357 : i1 to i32
          %sign3A_359 = arith.constant 0 : i32
          %sign3A_360 = arith.cmpi slt, %scan3A_353, %sign3A_359 : i32
          %sign3A_361 = arith.extui %sign3A_360 : i1 to i32
          %sign3A_362 = arith.subi %sign3A_358, %sign3A_361 : i32
          %sign3A_363 = arith.constant 0 : i32
          %sign3A_364 = arith.cmpi sgt, %jit3A_354, %sign3A_363 : i32
          %sign3A_365 = arith.extui %sign3A_364 : i1 to i32
          %sign3A_366 = arith.constant 0 : i32
          %sign3A_367 = arith.cmpi slt, %jit3A_354, %sign3A_366 : i32
          %sign3A_368 = arith.extui %sign3A_367 : i1 to i32
          %sign3A_369 = arith.subi %sign3A_365, %sign3A_368 : i32
          %ne3A_370 = arith.cmpi ne, %sign3A_362, %sign3A_369 : i32
          %rem3A_371 = arith.remsi %scan3A_353, %jit3A_354 : i32
          %ne3A_372 = arith.constant 0 : i32
          %ne3A_373 = arith.cmpi ne, %rem3A_371, %ne3A_372 : i32
          %and3A_374 = arith.andi %ne3A_370, %ne3A_373 : i1
          %sub3A_375 = arith.constant 1 : i32
          %sub3A_376 = arith.subi %div3A_355, %sub3A_375 : i32
          %select_n3A_377 = arith.select %and3A_374, %sub3A_376, %div3A_355 : i32
          %jit3A_378 = arith.constant 32 : i32
          %eq3A_379 = arith.constant 0 : i32
          %eq3A_380 = arith.cmpi eq, %jit3A_378, %eq3A_379 : i32
          %jit3A_381 = arith.constant 1 : i32
          %select_n3A_382 = arith.select %eq3A_380, %jit3A_381, %jit3A_378 : i32
          %rem3A_383 = arith.remsi %scan3A_353, %select_n3A_382 : i32
          %ne3A_384 = arith.constant 0 : i32
          %ne3A_385 = arith.cmpi ne, %rem3A_383, %ne3A_384 : i32
          %lt3A_386 = arith.constant 0 : i32
          %lt3A_387 = arith.cmpi slt, %rem3A_383, %lt3A_386 : i32
          %lt3A_388 = arith.constant 0 : i32
          %lt3A_389 = arith.cmpi slt, %select_n3A_382, %lt3A_388 : i32
          %ne3A_390 = arith.xori %lt3A_387, %lt3A_389 : i1
          %and3A_391 = arith.andi %ne3A_390, %ne3A_385 : i1
          %add3A_392 = arith.addi %rem3A_383, %select_n3A_382 : i32
          %select_n3A_393 = arith.select %and3A_391, %add3A_392, %rem3A_383 : i32
          %mul3A_394 = arith.constant 16 : i32
          %mul3A_395 = arith.muli %select_n3A_393, %mul3A_394 : i32
          %swap3A_396 = arith.index_cast %select_n3A_377 : i32 to index
          %swap3A_397 = arith.index_cast %mul3A_395 : i32 to index
          %swap3A_398 = tpu.vector_load %arg7[%swap3A_396, %swap3A_397] {strides = array<i32>} : memref<96x512xf32, #tpu.memory_space<vmem>>, vector<16xf32>,
          tpu.vector_store %arg7[%swap3A_396, %swap3A_397], %broadcast_in_dim3A_3 {strides = array<i32>} : memref<96x512xf32, #tpu.memory_space<vmem>>, vector<16xf32>,
          %scan3A_399 = arith.constant 0 : i32
          %scan3A_400 = arith.constant 7 : i32
          %scan3A_401 = arith.addi %scan3A_73, %scan3A_400 : i32
          %jit3A_402 = arith.constant 32 : i32
          %div3A_403 = arith.divsi %scan3A_401, %jit3A_402 : i32
          %sign3A_404 = arith.constant 0 : i32
          %sign3A_405 = arith.cmpi sgt, %scan3A_401, %sign3A_404 : i32
          %sign3A_406 = arith.extui %sign3A_405 : i1 to i32
          %sign3A_407 = arith.constant 0 : i32
          %sign3A_408 = arith.cmpi slt, %scan3A_401, %sign3A_407 : i32
          %sign3A_409 = arith.extui %sign3A_408 : i1 to i32
          %sign3A_410 = arith.subi %sign3A_406, %sign3A_409 : i32
          %sign3A_411 = arith.constant 0 : i32
          %sign3A_412 = arith.cmpi sgt, %jit3A_402, %sign3A_411 : i32
          %sign3A_413 = arith.extui %sign3A_412 : i1 to i32
          %sign3A_414 = arith.constant 0 : i32
          %sign3A_415 = arith.cmpi slt, %jit3A_402, %sign3A_414 : i32
          %sign3A_416 = arith.extui %sign3A_415 : i1 to i32
          %sign3A_417 = arith.subi %sign3A_413, %sign3A_416 : i32
          %ne3A_418 = arith.cmpi ne, %sign3A_410, %sign3A_417 : i32
          %rem3A_419 = arith.remsi %scan3A_401, %jit3A_402 : i32
          %ne3A_420 = arith.constant 0 : i32
          %ne3A_421 = arith.cmpi ne, %rem3A_419, %ne3A_420 : i32
          %and3A_422 = arith.andi %ne3A_418, %ne3A_421 : i1
          %sub3A_423 = arith.constant 1 : i32
          %sub3A_424 = arith.subi %div3A_403, %sub3A_423 : i32
          %select_n3A_425 = arith.select %and3A_422, %sub3A_424, %div3A_403 : i32
          %jit3A_426 = arith.constant 32 : i32
          %eq3A_427 = arith.constant 0 : i32
          %eq3A_428 = arith.cmpi eq, %jit3A_426, %eq3A_427 : i32
          %jit3A_429 = arith.constant 1 : i32
          %select_n3A_430 = arith.select %eq3A_428, %jit3A_429, %jit3A_426 : i32
          %rem3A_431 = arith.remsi %scan3A_401, %select_n3A_430 : i32
          %ne3A_432 = arith.constant 0 : i32
          %ne3A_433 = arith.cmpi ne, %rem3A_431, %ne3A_432 : i32
          %lt3A_434 = arith.constant 0 : i32
          %lt3A_435 = arith.cmpi slt, %rem3A_431, %lt3A_434 : i32
          %lt3A_436 = arith.constant 0 : i32
          %lt3A_437 = arith.cmpi slt, %select_n3A_430, %lt3A_436 : i32
          %ne3A_438 = arith.xori %lt3A_435, %lt3A_437 : i1
          %and3A_439 = arith.andi %ne3A_438, %ne3A_433 : i1
          %add3A_440 = arith.addi %rem3A_431, %select_n3A_430 : i32
          %select_n3A_441 = arith.select %and3A_439, %add3A_440, %rem3A_431 : i32
          %mul3A_442 = arith.constant 16 : i32
          %mul3A_443 = arith.muli %select_n3A_441, %mul3A_442 : i32
          %swap3A_444 = arith.index_cast %select_n3A_425 : i32 to index
          %swap3A_445 = arith.index_cast %mul3A_443 : i32 to index
          %swap3A_446 = tpu.vector_load %arg7[%swap3A_444, %swap3A_445] {strides = array<i32>} : memref<96x512xf32, #tpu.memory_space<vmem>>, vector<16xf32>,
          tpu.vector_store %arg7[%swap3A_444, %swap3A_445], %broadcast_in_dim3A_3 {strides = array<i32>} : memref<96x512xf32, #tpu.memory_space<vmem>>, vector<16xf32>,
          %scan3A_447 = arith.constant 0 : i32
          scf.yield %scan3A_447 : i32
        }
        %scan3A_72 = arith.constant 3072 : i32
      } else {
      }
      %gt3A_45 = arith.constant 0 : i32
      %gt3A_46 = arith.cmpi sgt, %scan3A_26, %gt3A_45 : i32
      %convert_element_type3A_47 = arith.extui %gt3A_46 : i1 to i32
      %cond3A_48 = arith.constant 0 : i32
      %cond3A_49 = arith.cmpi ne, %convert_element_type3A_47, %cond3A_48 : i32
      scf.if %cond3A_49 {
        %dma_wait3A_66 = arith.constant 0 : i32
        %dma_wait3A_67 = tpu.memref_slice %arg4[%dma_wait3A_66, %mul3A_2] : memref<1000x16384xf32, #tpu.memory_space<hbm>> -> memref<96x512xf32, #tpu.memory_space<hbm>>
        %dma_wait3A_68 = arith.constant 0 : i32
        %dma_wait3A_69 = tpu.memref_slice %arg4[%dma_wait3A_68, %mul3A_2] : memref<1000x16384xf32, #tpu.memory_space<hbm>> -> memref<96x512xf32, #tpu.memory_space<hbm>>
        tpu.wait_dma2 semaphore(%arg9 : memref<!tpu.dma_semaphore, #tpu.memory_space<semaphore_mem>>) src(%arg7 : memref<96x512xf32, #tpu.memory_space<vmem>>) dst(%dma_wait3A_69 : memref<96x512xf32, #tpu.memory_space<hbm>>)
      } else {
      }
      %sub3A_50 = arith.constant 96 : i32
      %sub3A_51 = arith.subi %mul3A_29, %sub3A_50 : i32
      %add3A_52 = arith.constant 104 : i32
      %add3A_53 = arith.addi %mul3A_29, %add3A_52 : i32
      %scan3A_54 = arith.constant 0 : i32
      %scan3A_55 = arith.constant 0 : i32
      %scan3A_56 = arith.constant 32 : i32
      %scan3A_57 = arith.addi %scan3A_55, %scan3A_56 : i32
      %scan3A_58 = arith.constant 4 : i32
      %scan3A_59 = scf.for %scan3A_66 = %scan3A_55 to %scan3A_57 step %scan3A_58 iter_args(%scan3A_67 = %scan3A_54) -> (i32)  : i32 {
        %mul3A_68 = arith.constant 16 : i32
        %mul3A_69 = arith.muli %scan3A_66, %mul3A_68 : i32
        %get3A = arith.index_cast %mul3A_69 : i32 to index
        %get3A_70 = tpu.vector_load %arg5[%get3A] {strides = array<i32>} : memref<512xi32, #tpu.memory_space<vmem>>, vector<16xi32>,
        %mul3A_71 = arith.constant 16 : i32
        %mul3A_72 = arith.muli %scan3A_66, %mul3A_71 : i32
        %add3A_73 = vector.broadcast %mul3A_72 : i32 to vector<16xi32>
        %add3A_74 = arith.addi %iota3A, %add3A_73 : vector<16xi32>
        %ge3A = vector.broadcast %sub3A_51 : i32 to vector<16xi32>
        %ge3A_75 = arith.cmpi sge, %get3A_70, %ge3A : vector<16xi32>
        %add3A_76 = arith.constant 96 : i32
        %add3A_77 = arith.addi %sub3A_51, %add3A_76 : i32
        %lt3A = vector.broadcast %add3A_77 : i32 to vector<16xi32>
        %lt3A_78 = arith.cmpi slt, %get3A_70, %lt3A : vector<16xi32>
        %and3A = arith.andi %ge3A_75, %lt3A_78 : vector<16xi1>
        %sub3A_79 = vector.broadcast %sub3A_51 : i32 to vector<16xi32>
        %sub3A_80 = arith.subi %get3A_70, %sub3A_79 : vector<16xi32>
        tpu.vector_store_idx %arg7[%sub3A_80, %add3A_74], %broadcast_in_dim3A_3 masked %and3A : memref<96x512xf32, #tpu.memory_space<vmem>>[vector<16xi32>, vector<16xi32>], vector<16xf32>, vector<16xi1>
        %ge3A_81 = vector.broadcast %add3A_53 : i32 to vector<16xi32>
        %ge3A_82 = arith.cmpi sge, %get3A_70, %ge3A_81 : vector<16xi32>
        %add3A_83 = arith.constant 96 : i32
        %add3A_84 = arith.addi %add3A_53, %add3A_83 : i32
        %lt3A_85 = vector.broadcast %add3A_84 : i32 to vector<16xi32>
        %lt3A_86 = arith.cmpi slt, %get3A_70, %lt3A_85 : vector<16xi32>
        %and3A_87 = arith.andi %ge3A_82, %lt3A_86 : vector<16xi1>
        %sub3A_88 = vector.broadcast %add3A_53 : i32 to vector<16xi32>
        %sub3A_89 = arith.subi %get3A_70, %sub3A_88 : vector<16xi32>
        tpu.vector_store_idx %arg7[%sub3A_89, %add3A_74], %broadcast_in_dim3A_5 masked %and3A_87 : memref<96x512xf32, #tpu.memory_space<vmem>>[vector<16xi32>, vector<16xi32>], vector<16xf32>, vector<16xi1>
        %scan3A_90 = arith.constant 0 : i32
        %scan3A_91 = arith.constant 1 : i32
        %scan3A_92 = arith.addi %scan3A_66, %scan3A_91 : i32
        %mul3A_93 = arith.constant 16 : i32
        %mul3A_94 = arith.muli %scan3A_92, %mul3A_93 : i32
        %get3A_95 = arith.index_cast %mul3A_94 : i32 to index
        %get3A_96 = tpu.vector_load %arg5[%get3A_95] {strides = array<i32>} : memref<512xi32, #tpu.memory_space<vmem>>, vector<16xi32>,
        %mul3A_97 = arith.constant 16 : i32
        %mul3A_98 = arith.muli %scan3A_92, %mul3A_97 : i32
        %add3A_99 = vector.broadcast %mul3A_98 : i32 to vector<16xi32>
        %add3A_100 = arith.addi %iota3A, %add3A_99 : vector<16xi32>
        %ge3A_101 = vector.broadcast %sub3A_51 : i32 to vector<16xi32>
        %ge3A_102 = arith.cmpi sge, %get3A_96, %ge3A_101 : vector<16xi32>
        %add3A_103 = arith.constant 96 : i32
        %add3A_104 = arith.addi %sub3A_51, %add3A_103 : i32
        %lt3A_105 = vector.broadcast %add3A_104 : i32 to vector<16xi32>
        %lt3A_106 = arith.cmpi slt, %get3A_96, %lt3A_105 : vector<16xi32>
        %and3A_107 = arith.andi %ge3A_102, %lt3A_106 : vector<16xi1>
        %sub3A_108 = vector.broadcast %sub3A_51 : i32 to vector<16xi32>
        %sub3A_109 = arith.subi %get3A_96, %sub3A_108 : vector<16xi32>
        tpu.vector_store_idx %arg7[%sub3A_109, %add3A_100], %broadcast_in_dim3A_3 masked %and3A_107 : memref<96x512xf32, #tpu.memory_space<vmem>>[vector<16xi32>, vector<16xi32>], vector<16xf32>, vector<16xi1>
        %ge3A_110 = vector.broadcast %add3A_53 : i32 to vector<16xi32>
        %ge3A_111 = arith.cmpi sge, %get3A_96, %ge3A_110 : vector<16xi32>
        %add3A_112 = arith.constant 96 : i32
        %add3A_113 = arith.addi %add3A_53, %add3A_112 : i32
        %lt3A_114 = vector.broadcast %add3A_113 : i32 to vector<16xi32>
        %lt3A_115 = arith.cmpi slt, %get3A_96, %lt3A_114 : vector<16xi32>
        %and3A_116 = arith.andi %ge3A_111, %lt3A_115 : vector<16xi1>
        %sub3A_117 = vector.broadcast %add3A_53 : i32 to vector<16xi32>
        %sub3A_118 = arith.subi %get3A_96, %sub3A_117 : vector<16xi32>
        tpu.vector_store_idx %arg7[%sub3A_118, %add3A_100], %broadcast_in_dim3A_5 masked %and3A_116 : memref<96x512xf32, #tpu.memory_space<vmem>>[vector<16xi32>, vector<16xi32>], vector<16xf32>, vector<16xi1>
        %scan3A_119 = arith.constant 0 : i32
        %scan3A_120 = arith.constant 2 : i32
        %scan3A_121 = arith.addi %scan3A_66, %scan3A_120 : i32
        %mul3A_122 = arith.constant 16 : i32
        %mul3A_123 = arith.muli %scan3A_121, %mul3A_122 : i32
        %get3A_124 = arith.index_cast %mul3A_123 : i32 to index
        %get3A_125 = tpu.vector_load %arg5[%get3A_124] {strides = array<i32>} : memref<512xi32, #tpu.memory_space<vmem>>, vector<16xi32>,
        %mul3A_126 = arith.constant 16 : i32
        %mul3A_127 = arith.muli %scan3A_121, %mul3A_126 : i32
        %add3A_128 = vector.broadcast %mul3A_127 : i32 to vector<16xi32>
        %add3A_129 = arith.addi %iota3A, %add3A_128 : vector<16xi32>
        %ge3A_130 = vector.broadcast %sub3A_51 : i32 to vector<16xi32>
        %ge3A_131 = arith.cmpi sge, %get3A_125, %ge3A_130 : vector<16xi32>
        %add3A_132 = arith.constant 96 : i32
        %add3A_133 = arith.addi %sub3A_51, %add3A_132 : i32
        %lt3A_134 = vector.broadcast %add3A_133 : i32 to vector<16xi32>
        %lt3A_135 = arith.cmpi slt, %get3A_125, %lt3A_134 : vector<16xi32>
        %and3A_136 = arith.andi %ge3A_131, %lt3A_135 : vector<16xi1>
        %sub3A_137 = vector.broadcast %sub3A_51 : i32 to vector<16xi32>
        %sub3A_138 = arith.subi %get3A_125, %sub3A_137 : vector<16xi32>
        tpu.vector_store_idx %arg7[%sub3A_138, %add3A_129], %broadcast_in_dim3A_3 masked %and3A_136 : memref<96x512xf32, #tpu.memory_space<vmem>>[vector<16xi32>, vector<16xi32>], vector<16xf32>, vector<16xi1>
        %ge3A_139 = vector.broadcast %add3A_53 : i32 to vector<16xi32>
        %ge3A_140 = arith.cmpi sge, %get3A_125, %ge3A_139 : vector<16xi32>
        %add3A_141 = arith.constant 96 : i32
        %add3A_142 = arith.addi %add3A_53, %add3A_141 : i32
        %lt3A_143 = vector.broadcast %add3A_142 : i32 to vector<16xi32>
        %lt3A_144 = arith.cmpi slt, %get3A_125, %lt3A_143 : vector<16xi32>
        %and3A_145 = arith.andi %ge3A_140, %lt3A_144 : vector<16xi1>
        %sub3A_146 = vector.broadcast %add3A_53 : i32 to vector<16xi32>
        %sub3A_147 = arith.subi %get3A_125, %sub3A_146 : vector<16xi32>
        tpu.vector_store_idx %arg7[%sub3A_147, %add3A_129], %broadcast_in_dim3A_5 masked %and3A_145 : memref<96x512xf32, #tpu.memory_space<vmem>>[vector<16xi32>, vector<16xi32>], vector<16xf32>, vector<16xi1>
        %scan3A_148 = arith.constant 0 : i32
        %scan3A_149 = arith.constant 3 : i32
        %scan3A_150 = arith.addi %scan3A_66, %scan3A_149 : i32
        %mul3A_151 = arith.constant 16 : i32
        %mul3A_152 = arith.muli %scan3A_150, %mul3A_151 : i32
        %get3A_153 = arith.index_cast %mul3A_152 : i32 to index
        %get3A_154 = tpu.vector_load %arg5[%get3A_153] {strides = array<i32>} : memref<512xi32, #tpu.memory_space<vmem>>, vector<16xi32>,
        %mul3A_155 = arith.constant 16 : i32
        %mul3A_156 = arith.muli %scan3A_150, %mul3A_155 : i32
        %add3A_157 = vector.broadcast %mul3A_156 : i32 to vector<16xi32>
        %add3A_158 = arith.addi %iota3A, %add3A_157 : vector<16xi32>
        %ge3A_159 = vector.broadcast %sub3A_51 : i32 to vector<16xi32>
        %ge3A_160 = arith.cmpi sge, %get3A_154, %ge3A_159 : vector<16xi32>
        %add3A_161 = arith.constant 96 : i32
        %add3A_162 = arith.addi %sub3A_51, %add3A_161 : i32
        %lt3A_163 = vector.broadcast %add3A_162 : i32 to vector<16xi32>
        %lt3A_164 = arith.cmpi slt, %get3A_154, %lt3A_163 : vector<16xi32>
        %and3A_165 = arith.andi %ge3A_160, %lt3A_164 : vector<16xi1>
        %sub3A_166 = vector.broadcast %sub3A_51 : i32 to vector<16xi32>
        %sub3A_167 = arith.subi %get3A_154, %sub3A_166 : vector<16xi32>
        tpu.vector_store_idx %arg7[%sub3A_167, %add3A_158], %broadcast_in_dim3A_3 masked %and3A_165 : memref<96x512xf32, #tpu.memory_space<vmem>>[vector<16xi32>, vector<16xi32>], vector<16xf32>, vector<16xi1>
        %ge3A_168 = vector.broadcast %add3A_53 : i32 to vector<16xi32>
        %ge3A_169 = arith.cmpi sge, %get3A_154, %ge3A_168 : vector<16xi32>
        %add3A_170 = arith.constant 96 : i32
        %add3A_171 = arith.addi %add3A_53, %add3A_170 : i32
        %lt3A_172 = vector.broadcast %add3A_171 : i32 to vector<16xi32>
        %lt3A_173 = arith.cmpi slt, %get3A_154, %lt3A_172 : vector<16xi32>
        %and3A_174 = arith.andi %ge3A_169, %lt3A_173 : vector<16xi1>
        %sub3A_175 = vector.broadcast %add3A_53 : i32 to vector<16xi32>
        %sub3A_176 = arith.subi %get3A_154, %sub3A_175 : vector<16xi32>
        tpu.vector_store_idx %arg7[%sub3A_176, %add3A_158], %broadcast_in_dim3A_5 masked %and3A_174 : memref<96x512xf32, #tpu.memory_space<vmem>>[vector<16xi32>, vector<16xi32>], vector<16xf32>, vector<16xi1>
        %scan3A_177 = arith.constant 0 : i32
        scf.yield %scan3A_177 : i32
      }
      %scan3A_60 = arith.constant 32 : i32
      %add3A_61 = arith.constant 104 : i32
      %add3A_62 = arith.addi %mul3A_29, %add3A_61 : i32
      %dma_start3A_63 = tpu.memref_slice %arg4[%add3A_62, %mul3A_2] : memref<1000x16384xf32, #tpu.memory_space<hbm>> -> memref<96x512xf32, #tpu.memory_space<hbm>>
      %dma_start3A_64 = tpu.memref_slice %arg4[%add3A_62, %mul3A_2] : memref<1000x16384xf32, #tpu.memory_space<hbm>> -> memref<96x512xf32, #tpu.memory_space<hbm>>
      tpu.enqueue_dma source(%arg7 : memref<96x512xf32, #tpu.memory_space<vmem>>) target(%dma_start3A_64 : memref<96x512xf32, #tpu.memory_space<hbm>>) target_semaphore(%arg9 : memref<!tpu.dma_semaphore, #tpu.memory_space<semaphore_mem>>)
      %scan3A_65 = arith.constant 0 : i32
      scf.yield %scan3A_65 : i32
    }
    %scan3A_18 = arith.constant 5 : i32
    %dma_wait3A = arith.constant 0 : i32
    %dma_wait3A_19 = tpu.memref_slice %arg4[%dma_wait3A, %mul3A_2] : memref<1000x16384xf32, #tpu.memory_space<hbm>> -> memref<104x512xf32, #tpu.memory_space<hbm>>
    %dma_wait3A_20 = arith.constant 0 : i32
    %dma_wait3A_21 = tpu.memref_slice %arg4[%dma_wait3A_20, %mul3A_2] : memref<1000x16384xf32, #tpu.memory_space<hbm>> -> memref<104x512xf32, #tpu.memory_space<hbm>>
    tpu.wait_dma2 semaphore(%arg8 : memref<!tpu.dma_semaphore, #tpu.memory_space<semaphore_mem>>) src(%arg6 : memref<104x512xf32, #tpu.memory_space<vmem>>) dst(%dma_wait3A_21 : memref<104x512xf32, #tpu.memory_space<hbm>>)
    %dma_wait3A_22 = arith.constant 0 : i32
    %dma_wait3A_23 = tpu.memref_slice %arg4[%dma_wait3A_22, %mul3A_2] : memref<1000x16384xf32, #tpu.memory_space<hbm>> -> memref<96x512xf32, #tpu.memory_space<hbm>>
    %dma_wait3A_24 = arith.constant 0 : i32
    %dma_wait3A_25 = tpu.memref_slice %arg4[%dma_wait3A_24, %mul3A_2] : memref<1000x16384xf32, #tpu.memory_space<hbm>> -> memref<96x512xf32, #tpu.memory_space<hbm>>
    tpu.wait_dma2 semaphore(%arg9 : memref<!tpu.dma_semaphore, #tpu.memory_space<semaphore_mem>>) src(%arg7 : memref<96x512xf32, #tpu.memory_space<vmem>>) dst(%dma_wait3A_25 : memref<96x512xf32, #tpu.memory_space<hbm>>)
    return
  }
}

</mosaic_0001>

<sc_bundles>
// kernel: kernel.3.cloned.1.call-start
scs
__scs_entry_jumppad:
0x0: {  	(pc) =	sbr.rel $0x88, $3  }
0x1: {  	(tag) =	ssettag $0x0;
	lr =	simm.s32 $0x1  }
0x2: {  	[smem:$0x3F9F] =	sst lr;
	_ =	strace $0xD0000000  }
0x3: {  	_ = 	snop  }
0x4: {  	_ = 	snop  }
0x5: {  	_ = 	snop  }
0x6: {  	_ = 	snop  }
0x7: {  	_ = 	snop  }
__scs_overlays_trampoline_lowered:
0x8: {  	[smem:$0x3FAE] =	sst s0  }
0x9: {  	[smem:$0x3FAF] =	sst s1  }
0xa: {  	[smem:$0x3FB0] =	sst s2  }
0xb: {  	[smem:$0x3FB1] =	sst s3  }
0xc: {  	[smem:$0x3FB2] =	sst s4  }
0xd: {  	[smem:$0x3FB3] =	sst s5  }
0xe: {  	[smem:$0x3FB4] =	sst s6  }
0xf: {  	[smem:$0x3FB5] =	sst s7  }
0x10: {  	[smem:$0x3FB6] =	sst s8  }
0x11: {  	[smem:$0x3FB7] =	sst s9;
	s0 =	simm.s32 @!p0 $0x0  }
0x12: {  	s1 =	sld [smem:$0x3F9D];
	s0 =	simm.s32 @p0 $0x1  }
0x13: {  	[smem:$0x3FB8] =	sst s0;
	s0 =	simm.s32 @!p1 $0x0  }
0x14: {  	s2 =	sld [smem:$0x3F9C];
	s0 =	simm.s32 @p1 $0x1  }
0x15: {  	[smem:$0x3FB9] =	sst s0;
	s0 =	simm.s32 @!p2 $0x0  }
0x16: {  	s3 =	sld [smem:$0x3FDB];
	s0 =	simm.s32 @p2 $0x1  }
0x17: {  	s4 =	simm.s32 $0x1BF5;
	[smem:$0x3FBB] =	sst s0  }
0x18: {  	s0 =	sld [smem:$0x3F9E];
	_ =	swait.ge [sflag:s4], $0x0  }
0x19: {  	s7 =	sld [smem:$0x3F9F]  }
0x1a: {  	s8 =	sadd.s32 $0xFFFFE003, lr  }
0x1b: {  	s9 =	sadd.s32 $0xFFFFFEF7, lr;
	s5 =	simm.s32 $0xFFFFFFFF;
	p2 =	slt.u32 s8, $0xFFFFF086  }
0x1c: {  	p1 =	slt.u32 s9, $0xF7A;
	s5 =	simm.s32 @!p2 $0x0  }
0x1d: {  	s5 =	simm.s32 @p1 $0x1;
	p0 =	seq.s32 s7, s2  }
0x1e: {  	s7 =	smul.u32 @!p0 $0xF7A, s2;
	p2 =	seq.s32 @!p0 s5, $0x0  }
0x1f: {  	s9 =	smul.u32 $0xF7A, s1;
	s8 =	simm.s32 @!p0 $0x1BF5;
	p2 =	por !p2, p0  }
0x20: {  	[sflag:s8] =	ssyncset.s32 @!p0 $0xFFFFF086;
	s6 =	sadd.s32 @!p0 s3, s7;
	s7 =	simm.s32 @!p0 $0x108  }
0x21: {  	s3 =	sadd.s32 s3, s9;
	s6 =	sadd.s32 @!p0 $0x88, s6;
	s7 =	simm.s32 @p2 $0x1082  }
0x22: {  	[simem:s7], [sflag:s8] =	dma.local @!p0 [hbm:s6], $0xF7A  }
0x23: {  	s9 =	sor.u32 $0xD0000000, s2;
	s6 =	simm.s32 $0x108;
	_ =	swait.ge @!p0 [sflag:s8], $0x0  }
0x24: {  	s3 =	sadd.s32 $0x88, s3;
	s6 =	simm.s32 @!p1 $0x1082;
	[sflag:s4] =	ssyncset.s32 $0xFFFFF086  }
0x25: {  	[simem:s6], [sflag:s4] =	dma.local [hbm:s3], $0xF7A  }
0x26: {  	[smem:$0x3F9F] =	sst s1;
	(tag) =	ssettag s2;
	_ =	strace s9  }
0x27: {  	s1 =	sld [smem:$0x3FAF]  }
0x28: {  	s2 =	sld [smem:$0x3FB0]  }
0x29: {  	s4 =	sld [smem:$0x3FB2]  }
0x2a: {  	p0 =	seq.s32 s5, $0x0;
	s5 =	sld [smem:$0x3FB3]  }
0x2b: {  	s6 =	sld [smem:$0x3FB4]  }
0x2c: {  	s7 =	sld [smem:$0x3FB5]  }
0x2d: {  	s3 =	simm.s32 $0x108;
	s8 =	sld [smem:$0x3FB6]  }
0x2e: {  	s3 =	simm.s32 @!p0 $0x1082;
	s9 =	sld [smem:$0x3FB7]  }
0x2f: {  	lr =	sadd.s32 s0, s3;
	s0 =	sld [smem:$0x3FAE]  }
0x30: {  	s3 =	sld [smem:$0x3FB1]  }
0x31: {  	[smem:$0x3FBA] =	sst s10  }
0x32: {  	s10 =	sld [smem:$0x3FB8];
	_ =	sdelay $0x3  }
0x33: {  	p0 =	seq.s32 s10, $0x1;
	s10 =	sld [smem:$0x3FBA];
	_ =	sdelay $0x3  }
0x34: {  	[smem:$0x3FBA] =	sst s10  }
0x35: {  	s10 =	sld [smem:$0x3FB9];
	_ =	sdelay $0x3  }
0x36: {  	p1 =	seq.s32 s10, $0x1;
	s10 =	sld [smem:$0x3FBA];
	_ =	sdelay $0x3  }
0x37: {  	[smem:$0x3FBA] =	sst s10  }
0x38: {  	s10 =	sld [smem:$0x3FBB]  }
0x39: {  	_ = 	snop;
	(pc) =	sbr.ind lr, $3  }
0x3a: {  	_ = 	snop  }
0x3b: {  	_ = 	snop  }
0x3c: {  	p2 =	seq.s32 s10, $0x1;
	s10 =	sld [smem:$0x3FBA]  }
0x3d: {  	_ =	shalt  }
0x3e: {  	_ =	shalt  }
0x3f: {  	_ =	shalt  }
0x40: {  	_ =	shalt  }
0x41: {  	_ =	shalt  }
0x42: {  	_ =	shalt  }
0x43: {  	_ =	shalt  }
0x44: {  	_ =	shalt  }
0x45: {  	_ =	shalt  }
0x46: {  	_ =	shalt  }
0x47: {  	_ =	shalt  }
0x48: {  	_ =	shalt  }
0x49: {  	_ =	shalt  }
0x4a: {  	_ =	shalt  }
0x4b: {  	_ =	shalt  }
0x4c: {  	_ =	shalt  }
0x4d: {  	_ =	shalt  }
0x4e: {  	_ =	shalt  }
0x4f: {  	_ =	shalt  }
0x50: {  	_ =	shalt  }
0x51: {  	_ =	shalt  }
0x52: {  	_ =	shalt  }
0x53: {  	_ =	shalt  }
0x54: {  	_ =	shalt  }
0x55: {  	_ =	shalt  }
0x56: {  	_ =	shalt  }
0x57: {  	_ =	shalt  }
0x58: {  	_ =	shalt  }
0x59: {  	_ =	shalt  }
0x5a: {  	_ =	shalt  }
0x5b: {  	_ =	shalt  }
0x5c: {  	_ =	shalt  }
0x5d: {  	_ =	shalt  }
0x5e: {  	_ =	shalt  }
0x5f: {  	_ =	shalt  }
0x60: {  	_ =	shalt  }
0x61: {  	_ =	shalt  }
0x62: {  	_ =	shalt  }
0x63: {  	_ =	shalt  }
0x64: {  	_ =	shalt  }
0x65: {  	_ =	shalt  }
0x66: {  	_ =	shalt  }
0x67: {  	_ =	shalt  }
0x68: {  	_ =	shalt  }
0x69: {  	_ =	shalt  }
0x6a: {  	_ =	shalt  }
0x6b: {  	_ =	shalt  }
0x6c: {  	_ =	shalt  }
0x6d: {  	_ =	shalt  }
0x6e: {  	_ =	shalt  }
0x6f: {  	_ =	shalt  }
0x70: {  	_ =	shalt  }
0x71: {  	_ =	shalt  }
0x72: {  	_ =	shalt  }
0x73: {  	_ =	shalt  }
0x74: {  	_ =	shalt  }
0x75: {  	_ =	shalt  }
0x76: {  	_ =	shalt  }
0x77: {  	_ =	shalt  }
0x78: {  	_ =	shalt  }
0x79: {  	_ =	shalt  }
0x7a: {  	_ =	shalt  }
0x7b: {  	_ =	shalt  }
0x7c: {  	_ =	shalt  }
0x7d: {  	_ =	shalt  }
0x7e: {  	_ =	shalt  }
0x7f: {  	_ =	shalt  }
0x80: {  	_ =	shalt  }
0x81: {  	_ =	shalt  }
0x82: {  	_ =	shalt  }
0x83: {  	_ =	shalt  }
0x84: {  	_ =	shalt  }
0x85: {  	_ =	shalt  }
0x86: {  	_ =	shalt  }
0x87: {  	_ =	shalt  }
.Lfunc_end0:
.L_simem_size_0:
called_computation_lowered:
.L_overlay_start_0:
0x88: {  	s2 =	sld [smem:$0x3FD9]  }
0x89: {  	s3 =	sld [smem:$0x3FFE];
	_ =	sdelay $0x1  }
0x8a: {  	s1 =	srdreg.scid  }
0x8b: {  	s0 =	sand.u32 $0x1, s1  }
0x8c: {  	s18 =	sshll.u32 s0, $0xA;
	s2 =	sadd.s32 s3, s2  }
0x8d: {  	s2 =	sadd.s32 s2, s18  }
0x8e: {  	[smem:$0x3FC6] =	sst s2  }
0x8f: {  	_ = 	snop  }
0x90: {  	s2 =	sld [smem:$0x3FC9]  }
0x91: {  	s19 =	sld [smem:$0x3FD0];
	(tm) =	ssettm $0x1  }
0x92: {  	s4 =	sld [smem:$0x3FFB];
	_ =	sdelay $0x3  }
0x93: {  	_ =	strace s4  }
0x94: {  	s4 =	sld [smem:$0x3FFC];
	_ =	sdelay $0x3  }
0x95: {  	_ =	strace s4  }
0x96: {  	s4 =	sld [smem:$0x3FFD];
	_ =	sdelay $0x3  }
0x97: {  	_ =	strace s4  }
0x98: {  	_ =	strace $0x8FFFFFFF  }
0x99: {  	s20 =	sld [smem:$0x3FDB];
	_ =	sdelay $0x1  }
0x9a: {  	s5 =	simm.s32 $_scs_section_size  }
0x9b: {  	s6 =	simm.s32 $_size__tile_overlayer_lowered;
	s7 =	simm.s32 $_tile_overlayer_lowered  }
0x9c: {  	s23 =	simm.s32 $0x1BFF;
	s22 =	sshll.u32 s7, $0x1;
	s4 =	sadd.s32 s5, s20  }
0x9d: {  	s8 =	simm.s32 $0x0;
	s21 =	sshll.u32 s6, $0x1;
	s6 =	sadd.s32 s22, s4  }
0x9e: {  	[timem:s8], [sflag:s23] =	dma.local [hbm:s6], s21  }
0x9f: {  	_ =	swait.ge [sflag:s23], s21  }
0xa0: {  	s5 =	ssub.s32 $0x0, s21;
	[sflag:s23] =	ssyncset.done $0x0  }
0xa1: {  	[sflag:s23] =	ssyncadd.s32 s5;
	_ =	sdelay $0x1  }
0xa2: {  	s24 =	simm.s32 $0x1B8B  }
0xa3: {  	_ =	swait.ge [sflag:s24], $0x1  }
0xa4: {  	[sflag:s24] =	ssyncset.done $0x0  }
0xa5: {  	s25 =	simm.s32 $0x1B8E;
	[sflag:s24] =	ssyncadd.s32 $0xFFFFFFFF  }
0xa6: {  	s26 =	simm.s32 $execute0_lowered;
	[smem:$0x3FD2] =	sst s25  }
0xa7: {  	s5 =	sshll.u32 s26, $0x1;
	_ =	strace $0x80000046;
	[dreg:$0x1] =	wrdreg $0xFFFFFFFF  }
0xa8: {  	s28 =	simm.s32 $_size_execute0_lowered;
	s4 =	sadd.s32 s4, s5;
	[dreg:$0x0] =	wrdreg $0x0  }
0xa9: {  	s5 =	sshll.u32 s28, $0x1;
	[dreg:$0x2] =	wrdreg s4  }
0xaa: {  	[dreg:$0x3] =	wrdreg s5  }
0xab: {  	[dreg:$0x4] =	wrdreg $0xC0  }
0xac: {  	_ =	task [dreg:s8], $0x5FFFF  }
0xad: {  	[dreg:$0x1] =	wrdreg $0xFFFFFFFF  }
0xae: {  	[dreg:$0x0] =	wrdreg $0x60  }
0xaf: {  	[dreg:$0x2] =	wrdreg s2  }
0xb0: {  	[dreg:$0x3] =	wrdreg s19  }
0xb1: {  	[dreg:$0x4] =	wrdreg $0x9  }
0xb2: {  	_ =	task.clear_ibuf [dreg:s8], $0x5FFFF;
	_ =	strace $0x90000046  }
0xb3: {  	s29 =	simm.s32 $0x9;
	_ =	strace $0x80000048  }
0xb4: {  	_ =	swait.ge [sflag:s29], $0x1  }
0xb5: {  	[sflag:s29] =	ssyncadd.s32 $0xFFFFFFFF  }
0xb6: {  	_ =	strace $0x90000048  }
0xb7: {  	_ =	sfence  }
0xb8: {  	s30 =	sld [smem:$0x0];
	_ =	sdelay $0x2  }
0xb9: {  	s31 =	sshll.u32 s1, $0xD;
	s1 =	sshrl.u32 s1, $0x2  }
0xba: {  	s3 =	sand.u32 $0x4000, s31;
	s1 =	sadd.s32 s1, s30  }
0xbb: {  	s0 =	sor.u32 s3, s0;
	s1 =	sshll.u32 s1, $0x11  }
0xbc: {  	s0 =	sor.u32 s1, s0  }
0xbd: {  	s0 =	sadd.s32 $0x8F2B, s0  }
0xbe: {  	[sflag:s0] =	ssyncadd.remote.s32 $0x1  }
0xbf: {  	_ =	sfence.sel $0xFFFF  }
0xc0: {  	[dreg:$0x0] =	wrdreg $0xFFFFFFFF;
	(pc) =	sbr.abs _section_cstart, $3  }
0xc1: {  	[dreg:$0x1] =	wrdreg $0xFFFFFFFF  }
0xc2: {  	_ =	task.clear_ibuf [dreg:s8], $0x2FFFF;
	_ =	strace $0x9FFFFFFF  }
0xc3: {  	(tm) =	ssettm $0x7FFFFFFF  }
tec
execute0_lowered:
.L_overlay_start_1:
0x0: {  	(tag) =	ssettag $0x1  }
0x1: {  	s3 =	rddreg [dreg:$0x0]  }
0x2: {  	s4 =	rddreg [dreg:$0x1];
	s2 =	srdreg.scid  }
0x3: {  	s0 =	rddreg [dreg:$0x2];
	s1 =	stileid.u32;
	s9 =	simm.s32 $0x20000  }
0x4: {  	s10 =	simm.s32 $0xD200;
	s11 =	simm.s32 $0x1;
	s12 =	simm.s32 $0x2  }
0x5: {  	s13 =	simm.s32 $0x0;
	s5 =	sand.u32 $0x1, s2;
	s2 =	simm.s32 $0x0  }
0x6: {  	s6 =	sshll.u32 s1, $0xA;
	s7 =	sshll.u32 s5, $0x9;
	[smem:$0x7FF] =	sst s2  }
0x7: {  	s5 =	ssub.s32 $0x2, s5;
	s6 =	sor.u32 s7, s6;
	_ =	strace $0x80000047  }
0x8: {  	s31 =	sshrl.u32 s5, $0x1;
	s7 =	simm.s32 $0x200;
	s8 =	sshrl.u32 s6, $0x3  }
0x9: {  	s5 =	ssub.s32 s5, s31;
	s4 =	sadd.s32 s4, s6;
	s6 =	simm.s32 $0x3  }
0xa: {  	v0 =	vimm.f32 $0.0e+00;
	v1 =	vlaneseq.u32;
	v2 =	vimm.f32 $1.000000000e+00;
	s3 =	sadd.s32 s3, s8;
	s5 =	smax.u32 s5, $0x1;
	s8 =	simm.s32 $0x1000  }
.LBB2_1:
0xb: {  	[tilespmem:s2], [sflag:$0x3] =	stream.linear.gather [hbm4b:s3+s2], $0x200, $0x38;
	[tilespmem:$0x19200] =	vst v63  }
0xc: {  	s14 =	simm.s32 $0x0;
	s15 =	sand.u32 $0xC00, s2  }
0xd: {  	s16 =	simm.s32 $0x0;
	_ =	swait.ge [sflag:s6], $0x200;
	s14 =	sand.u32 $0xF000, s14  }
0xe: {  	s16 =	sand.u32 $0x380, s16;
	[sflag:s6] =	ssyncset.done $0x0;
	s14 =	sor.u32 s15, s14  }
0xf: {  	[sflag:s6] =	ssyncadd.s32 $0xFFFFFE00;
	s15 =	sor.u32 s14, s16  }
0x10: {  	[tilespmem:s15+$0x270] =	vst v0  }
0x11: {  	[tilespmem:s15+$0x200] =	vst v0  }
0x12: {  	s17 =	simm.s32 $0x0;
	s16 =	simm.s32 $0x0;
	[tilespmem:s15+$0x210] =	vst v0  }
.LBB2_2:
0x13: {  	s16 =	sadd.s32 $0x8, s16;
	[tilespmem:s15+$0x220] =	vst v0  }
0x14: {  	s17 =	sadd.s32 $0x400, s17;
	s14 =	sshll.u32 s16, $0x4;
	p0 =	slt.u32 s16, $0xCF8;
	[tilespmem:s15+$0x230] =	vst v0  }
0x15: {  	s18 =	sand.u32 $0xC00, s17;
	s19 =	sshll.u32 s16, $0x2;
	s14 =	sand.u32 $0xF000, s14;
	[tilespmem:s15+$0x240] =	vst v0  }
.Ltmp0:
0x16: {  	s19 =	sand.u32 $0x380, s19;
	s14 =	sor.u32 s18, s14;
	[tilespmem:s15+$0x250] =	vst v0;
	(pc) =	sbr.rel @p0 .LBB2_2-.Ltmp0, $4  }
0x17: {  	[tilespmem:s15+$0x260] =	vst v0;
	s15 =	sor.u32 s14, s19  }
0x18: {  	s14 =	simm.s32 $0x0;
	[tilespmem:s15+$0x270] =	vst v0  }
0x19: {  	[tilespmem:s15+$0x200] =	vst v0  }
0x1a: {  	[tilespmem:s15+$0x210] =	vst v0  }
0x1b: {  	[tilespmem:s15+$0x220] =	vst v0  }
0x1c: {  	[tilespmem:s15+$0x230] =	vst v0  }
0x1d: {  	[tilespmem:s15+$0x240] =	vst v0  }
0x1e: {  	[tilespmem:s15+$0x250] =	vst v0  }
0x1f: {  	[tilespmem:s15+$0x260] =	vst v0  }
.LBB2_4:
0x20: {  	p0 =	seq.s32 s14, $0x0  }
0x21: {  	s16 =	smul.u32 $0xC8, s14;
	s15 =	simm.s32 @!p0 $0x1  }
0x22: {  	_ =	swait.ge @!p0 [sflag:s15], $0xD000  }
0x23: {  	s17 =	sadd.s32 $0xFFFFFF38, s16;
	[sflag:s15] =	ssyncset.done @!p0 $0x0  }
0x24: {  	s31 =	sadd.s32 $0xFFFFFFA0, s16;
	v4 =	vmov s16;
	[sflag:s15] =	ssyncadd.s32 @!p0 $0xFFFF3000;
	s15 =	sadd.s32 $0x68, s16  }
0x25: {  	s18 =	simm.s32 $0x20;
	s19 =	simm.s32 $0x0;
	v6 =	vmov s17;
	v3 =	vmov s31;
	s17 =	simm.s32 $0xFFFFFFFC;
	v5 =	vmov s15  }
.LBB2_5:
0x26: {  	v7 =	vld [tilespmem:s18+$0xFFFFFFE0];
	_ =	sdelay $0x2  }
0x27: {  	v8 =	vmov s19  }
0x28: {  	v9 =	vor.u32 s19, v1;
	v8 =	vshll.u32 v8, $0x3  }
0x29: {  	v9 =	vand.u32 $0x4F, v9;
	v8 =	vand.u32 $0xC00, v8;
	vm0 =	vge.s32 v7, v6  }
0x2a: {  	vm1 =	vlt.s32 v7, v3;
	v10 =	vsub.s32 v7, v6;
	v11 =	vsub.s32 v7, v4  }
0x2b: {  	v51 =	vshll.u32 v7, $0x7;
	vm15 =	vge.s32 v7, v4;
	v10 =	vshll.u32 v10, $0x9  }
0x2c: {  	vm2 =	vlt.s32 v7, v5;
	v11 =	vshll.u32 v11, $0x9;
	v10 =	vand.u32 $0xFFFFF000, v10  }
0x2d: {  	vm0 =	vmand vm0, vm1;
	v11 =	vand.u32 $0xFFFFF000, v11;
	v10 =	vor.u32 v10, v8  }
0x2e: {  	v8 =	vor.u32 v11, v8;
	v11 =	vand.u32 $0x380, v51;
	v10 =	vor.u32 v9, v10  }
0x2f: {  	vm1 =	vmand vm15, vm2;
	v8 =	vor.u32 v9, v8;
	v7 =	vor.u32 v11, v10  }
0x30: {  	v8 =	vor.u32 v11, v8;
	_ =	sdelay $0x3  }
0x31: {  	[tilespmem:v7+s7+$0x0] =	vst.idx.msk vm0, v0  }
0x32: {  	[tilespmem:v8+s7+$0x0] =	vst.idx.msk vm1, v2  }
0x33: {  	v7 =	vld [tilespmem:s18+$0xFFFFFFF0];
	_ =	sdelay $0x1  }
0x34: {  	s20 =	sadd.s32 $0x10, s19  }
0x35: {  	v8 =	vmov s20  }
0x36: {  	v52 =	vor.u32 s20, v1;
	v8 =	vshll.u32 v8, $0x3  }
0x37: {  	v9 =	vand.u32 $0x5F, v52;
	v8 =	vand.u32 $0xC00, v8;
	vm4 =	vge.s32 v7, v6  }
0x38: {  	vm5 =	vlt.s32 v7, v3;
	v53 =	vsub.s32 v7, v6;
	v54 =	vsub.s32 v7, v4  }
0x39: {  	v55 =	vshll.u32 v7, $0x7;
	vm6 =	vge.s32 v7, v4;
	v10 =	vshll.u32 v53, $0x9  }
0x3a: {  	vm7 =	vlt.s32 v7, v5;
	v11 =	vshll.u32 v54, $0x9;
	v10 =	vand.u32 $0xFFFFF000, v10  }
0x3b: {  	vm0 =	vmand vm4, vm5;
	v11 =	vand.u32 $0xFFFFF000, v11;
	v10 =	vor.u32 v10, v8  }
0x3c: {  	v8 =	vor.u32 v11, v8;
	v11 =	vand.u32 $0x380, v55;
	v10 =	vor.u32 v9, v10  }
0x3d: {  	vm1 =	vmand vm6, vm7;
	v8 =	vor.u32 v9, v8;
	v7 =	vor.u32 v11, v10  }
0x3e: {  	v8 =	vor.u32 v11, v8;
	_ =	sdelay $0x3  }
0x3f: {  	[tilespmem:v7+s7+$0x0] =	vst.idx.msk vm0, v0  }
0x40: {  	[tilespmem:v8+s7+$0x0] =	vst.idx.msk vm1, v2  }
0x41: {  	v7 =	vld [tilespmem:s18+$0x0];
	_ =	sdelay $0x1  }
0x42: {  	s30 =	sadd.s32 $0x20, s19  }
0x43: {  	v8 =	vmov s30  }
0x44: {  	v56 =	vor.u32 s30, v1;
	v8 =	vshll.u32 v8, $0x3  }
0x45: {  	v9 =	vand.u32 $0x6F, v56;
	v8 =	vand.u32 $0xC00, v8;
	vm8 =	vge.s32 v7, v6  }
0x46: {  	vm9 =	vlt.s32 v7, v3;
	v57 =	vsub.s32 v7, v6;
	v58 =	vsub.s32 v7, v4  }
0x47: {  	v59 =	vshll.u32 v7, $0x7;
	vm10 =	vge.s32 v7, v4;
	v10 =	vshll.u32 v57, $0x9  }
0x48: {  	vm11 =	vlt.s32 v7, v5;
	v11 =	vshll.u32 v58, $0x9;
	v10 =	vand.u32 $0xFFFFF000, v10  }
0x49: {  	vm0 =	vmand vm8, vm9;
	v11 =	vand.u32 $0xFFFFF000, v11;
	v10 =	vor.u32 v10, v8  }
0x4a: {  	v8 =	vor.u32 v11, v8;
	v11 =	vand.u32 $0x380, v59;
	v10 =	vor.u32 v9, v10  }
0x4b: {  	vm1 =	vmand vm10, vm11;
	v8 =	vor.u32 v9, v8;
	v7 =	vor.u32 v11, v10  }
0x4c: {  	v8 =	vor.u32 v11, v8;
	_ =	sdelay $0x3  }
0x4d: {  	[tilespmem:v7+s7+$0x0] =	vst.idx.msk vm0, v0  }
0x4e: {  	[tilespmem:v8+s7+$0x0] =	vst.idx.msk vm1, v2  }
0x4f: {  	v7 =	vld [tilespmem:s18+$0x10];
	_ =	sdelay $0x1  }
0x50: {  	s31 =	sadd.s32 $0x30, s19  }
0x51: {  	v8 =	vmov s31  }
0x52: {  	v60 =	vor.u32 s31, v1;
	v8 =	vshll.u32 v8, $0x3  }
0x53: {  	v9 =	vand.u32 $0x7F, v60;
	v8 =	vand.u32 $0xC00, v8;
	vm12 =	vge.s32 v7, v6  }
0x54: {  	vm13 =	vlt.s32 v7, v3;
	v61 =	vsub.s32 v7, v6;
	v62 =	vsub.s32 v7, v4  }
0x55: {  	v63 =	vshll.u32 v7, $0x7;
	vm14 =	vge.s32 v7, v4;
	v10 =	vshll.u32 v61, $0x9  }
0x56: {  	vm15 =	vlt.s32 v7, v5;
	v11 =	vshll.u32 v62, $0x9;
	v10 =	vand.u32 $0xFFFFF000, v10  }
0x57: {  	vm0 =	vmand vm12, vm13;
	v11 =	vand.u32 $0xFFFFF000, v11;
	v10 =	vor.u32 v10, v8  }
0x58: {  	v8 =	vor.u32 v11, v8;
	v11 =	vand.u32 $0x380, v63;
	v10 =	vor.u32 v9, v10  }
0x59: {  	s17 =	sadd.s32 $0x4, s17;
	vm1 =	vmand vm14, vm15;
	v8 =	vor.u32 v9, v8;
	v7 =	vor.u32 v11, v10  }
0x5a: {  	p0 =	slt.u32 s17, $0x1C;
	v8 =	vor.u32 v11, v8  }
.Ltmp1:
0x5b: {  	_ = 	snop;
	(pc) =	sbr.rel @p0 .LBB2_5-.Ltmp1, $3  }
0x5c: {  	_ =	sdelay $0x1  }
0x5d: {  	[tilespmem:v7+s7+$0x0] =	vst.idx.msk vm0, v0  }
0x5e: {  	s19 =	sadd.s32 $0x40, s19;
	s18 =	sadd.s32 $0x40, s18;
	[tilespmem:v8+s7+$0x0] =	vst.idx.msk vm1, v2  }
0x5f: {  	p0 =	sne.s32 s14, $0x0  }
.Ltmp2:
0x60: {  	_ = 	snop;
	(pc) =	sbr.rel @!p0 .LBB2_7-.Ltmp2, $3  }
0x61: {  	s17 =	smul.u32 $0x64000, s14;
	_ =	sdelay $0x1  }
0x62: {  	s17 =	sadd.s32 s17, s4  }
0x63: {  	[hbm4b:s17+s8] =	stream.strided.scatter [tilespmem:s7], [sflag:$0x1], $0xD000, s9, s8, $0x38;
	[tilespmem:$0x19200] =	vst v63  }
.Ltmp3:
0x64: {  	(pc) =	sbr.rel .LBB2_11-.Ltmp3, $4  }
0x65: {  	_ = 	snop  }
0x66: {  	_ =	swait.ge [sflag:s12], $0xC000  }
0x67: {  	[sflag:s12] =	ssyncset.done $0x0  }
0x68: {  	[sflag:s12] =	ssyncadd.s32 $0xFFFF4000  }
.LBB2_7:
0x69: {  	s17 =	simm.s32 $0x0;
	s18 =	simm.s32 $0x0  }
0x6a: {  	s20 =	simm.s32 $0x0;
	s18 =	sand.u32 $0xF000, s18;
	s19 =	sand.u32 $0xC00, s17  }
0x6b: {  	s20 =	sand.u32 $0x380, s20;
	s18 =	sor.u32 s19, s18  }
0x6c: {  	s18 =	sor.u32 s20, s18  }
0x6d: {  	[tilespmem:s18+$0xD270] =	vst v0  }
0x6e: {  	[tilespmem:s18+$0xD200] =	vst v0  }
0x6f: {  	s19 =	simm.s32 $0x0;
	[tilespmem:s18+$0xD210] =	vst v0  }
.LBB2_8:
0x70: {  	s19 =	sadd.s32 $0x8, s19;
	[tilespmem:s18+$0xD220] =	vst v0  }
0x71: {  	s17 =	sadd.s32 $0x400, s17;
	s20 =	sshll.u32 s19, $0x4;
	p0 =	slt.u32 s19, $0xBF8;
	[tilespmem:s18+$0xD230] =	vst v0  }
0x72: {  	s21 =	sand.u32 $0xC00, s17;
	s22 =	sshll.u32 s19, $0x2;
	s20 =	sand.u32 $0xF000, s20;
	[tilespmem:s18+$0xD240] =	vst v0  }
.Ltmp4:
0x73: {  	s22 =	sand.u32 $0x380, s22;
	s20 =	sor.u32 s21, s20;
	[tilespmem:s18+$0xD250] =	vst v0;
	(pc) =	sbr.rel @p0 .LBB2_8-.Ltmp4, $4  }
0x74: {  	[tilespmem:s18+$0xD260] =	vst v0;
	s18 =	sor.u32 s22, s20  }
0x75: {  	[tilespmem:s18+$0xD270] =	vst v0  }
0x76: {  	[tilespmem:s18+$0xD200] =	vst v0  }
0x77: {  	[tilespmem:s18+$0xD210] =	vst v0  }
0x78: {  	[tilespmem:s18+$0xD220] =	vst v0  }
0x79: {  	[tilespmem:s18+$0xD230] =	vst v0  }
0x7a: {  	[tilespmem:s18+$0xD240] =	vst v0  }
0x7b: {  	[tilespmem:s18+$0xD250] =	vst v0  }
0x7c: {  	[tilespmem:s18+$0xD260] =	vst v0  }
.LBB2_11:
0x7d: {  	s16 =	sadd.s32 $0xC8, s16  }
0x7e: {  	s17 =	simm.s32 $0x0;
	s18 =	simm.s32 $0x20;
	v6 =	vmov s16;
	s16 =	simm.s32 $0xFFFFFFFC  }
.LBB2_12:
0x7f: {  	v7 =	vld [tilespmem:s18+$0xFFFFFFE0];
	_ =	sdelay $0x2  }
0x80: {  	v8 =	vmov s17  }
0x81: {  	v9 =	vor.u32 s17, v1;
	v8 =	vshll.u32 v8, $0x3  }
0x82: {  	v9 =	vand.u32 $0x4F, v9;
	v8 =	vand.u32 $0xC00, v8;
	vm0 =	vge.s32 v7, v3  }
0x83: {  	vm1 =	vlt.s32 v7, v4;
	v10 =	vsub.s32 v7, v3;
	v11 =	vsub.s32 v7, v5  }
0x84: {  	v51 =	vshll.u32 v7, $0x7;
	vm15 =	vge.s32 v7, v5;
	v10 =	vshll.u32 v10, $0x9  }
0x85: {  	vm2 =	vlt.s32 v7, v6;
	v11 =	vshll.u32 v11, $0x9;
	v10 =	vand.u32 $0xFFFFF000, v10  }
0x86: {  	vm0 =	vmand vm0, vm1;
	v11 =	vand.u32 $0xFFFFF000, v11;
	v10 =	vor.u32 v10, v8  }
0x87: {  	v8 =	vor.u32 v11, v8;
	v11 =	vand.u32 $0x380, v51;
	v10 =	vor.u32 v9, v10  }
0x88: {  	vm1 =	vmand vm15, vm2;
	v8 =	vor.u32 v9, v8;
	v7 =	vor.u32 v11, v10  }
0x89: {  	v8 =	vor.u32 v11, v8;
	_ =	sdelay $0x3  }
0x8a: {  	[tilespmem:v7+s10+$0x0] =	vst.idx.msk vm0, v0  }
0x8b: {  	[tilespmem:v8+s10+$0x0] =	vst.idx.msk vm1, v2  }
0x8c: {  	v7 =	vld [tilespmem:s18+$0xFFFFFFF0];
	_ =	sdelay $0x1  }
0x8d: {  	s19 =	sadd.s32 $0x10, s17  }
0x8e: {  	v8 =	vmov s19  }
0x8f: {  	v52 =	vor.u32 s19, v1;
	v8 =	vshll.u32 v8, $0x3  }
0x90: {  	v9 =	vand.u32 $0x5F, v52;
	v8 =	vand.u32 $0xC00, v8;
	vm4 =	vge.s32 v7, v3  }
0x91: {  	vm5 =	vlt.s32 v7, v4;
	v53 =	vsub.s32 v7, v3;
	v54 =	vsub.s32 v7, v5  }
0x92: {  	v55 =	vshll.u32 v7, $0x7;
	vm6 =	vge.s32 v7, v5;
	v10 =	vshll.u32 v53, $0x9  }
0x93: {  	vm7 =	vlt.s32 v7, v6;
	v11 =	vshll.u32 v54, $0x9;
	v10 =	vand.u32 $0xFFFFF000, v10  }
0x94: {  	vm0 =	vmand vm4, vm5;
	v11 =	vand.u32 $0xFFFFF000, v11;
	v10 =	vor.u32 v10, v8  }
0x95: {  	v8 =	vor.u32 v11, v8;
	v11 =	vand.u32 $0x380, v55;
	v10 =	vor.u32 v9, v10  }
0x96: {  	vm1 =	vmand vm6, vm7;
	v8 =	vor.u32 v9, v8;
	v7 =	vor.u32 v11, v10  }
0x97: {  	v8 =	vor.u32 v11, v8;
	_ =	sdelay $0x3  }
0x98: {  	[tilespmem:v7+s10+$0x0] =	vst.idx.msk vm0, v0  }
0x99: {  	[tilespmem:v8+s10+$0x0] =	vst.idx.msk vm1, v2  }
0x9a: {  	v7 =	vld [tilespmem:s18+$0x0];
	_ =	sdelay $0x1  }
0x9b: {  	s30 =	sadd.s32 $0x20, s17  }
0x9c: {  	v8 =	vmov s30  }
0x9d: {  	v56 =	vor.u32 s30, v1;
	v8 =	vshll.u32 v8, $0x3  }
0x9e: {  	v9 =	vand.u32 $0x6F, v56;
	v8 =	vand.u32 $0xC00, v8;
	vm8 =	vge.s32 v7, v3  }
0x9f: {  	vm9 =	vlt.s32 v7, v4;
	v57 =	vsub.s32 v7, v3;
	v58 =	vsub.s32 v7, v5  }
0xa0: {  	v59 =	vshll.u32 v7, $0x7;
	vm10 =	vge.s32 v7, v5;
	v10 =	vshll.u32 v57, $0x9  }
0xa1: {  	vm11 =	vlt.s32 v7, v6;
	v11 =	vshll.u32 v58, $0x9;
	v10 =	vand.u32 $0xFFFFF000, v10  }
0xa2: {  	vm0 =	vmand vm8, vm9;
	v11 =	vand.u32 $0xFFFFF000, v11;
	v10 =	vor.u32 v10, v8  }
0xa3: {  	v8 =	vor.u32 v11, v8;
	v11 =	vand.u32 $0x380, v59;
	v10 =	vor.u32 v9, v10  }
0xa4: {  	vm1 =	vmand vm10, vm11;
	v8 =	vor.u32 v9, v8;
	v7 =	vor.u32 v11, v10  }
0xa5: {  	v8 =	vor.u32 v11, v8;
	_ =	sdelay $0x3  }
0xa6: {  	[tilespmem:v7+s10+$0x0] =	vst.idx.msk vm0, v0  }
0xa7: {  	[tilespmem:v8+s10+$0x0] =	vst.idx.msk vm1, v2  }
0xa8: {  	v7 =	vld [tilespmem:s18+$0x10];
	_ =	sdelay $0x1  }
0xa9: {  	s31 =	sadd.s32 $0x30, s17  }
0xaa: {  	v8 =	vmov s31  }
0xab: {  	v60 =	vor.u32 s31, v1;
	v8 =	vshll.u32 v8, $0x3  }
0xac: {  	v9 =	vand.u32 $0x7F, v60;
	v8 =	vand.u32 $0xC00, v8;
	vm12 =	vge.s32 v7, v3  }
0xad: {  	vm13 =	vlt.s32 v7, v4;
	v61 =	vsub.s32 v7, v3;
	v62 =	vsub.s32 v7, v5  }
0xae: {  	v63 =	vshll.u32 v7, $0x7;
	vm14 =	vge.s32 v7, v5;
	v10 =	vshll.u32 v61, $0x9  }
0xaf: {  	vm15 =	vlt.s32 v7, v6;
	v11 =	vshll.u32 v62, $0x9;
	v10 =	vand.u32 $0xFFFFF000, v10  }
0xb0: {  	vm0 =	vmand vm12, vm13;
	v11 =	vand.u32 $0xFFFFF000, v11;
	v10 =	vor.u32 v10, v8  }
0xb1: {  	v8 =	vor.u32 v11, v8;
	v11 =	vand.u32 $0x380, v63;
	v10 =	vor.u32 v9, v10  }
0xb2: {  	s16 =	sadd.s32 $0x4, s16;
	vm1 =	vmand vm14, vm15;
	v8 =	vor.u32 v9, v8;
	v7 =	vor.u32 v11, v10  }
0xb3: {  	p0 =	slt.u32 s16, $0x1C;
	v8 =	vor.u32 v11, v8  }
.Ltmp5:
0xb4: {  	_ = 	snop;
	(pc) =	sbr.rel @p0 .LBB2_12-.Ltmp5, $3  }
0xb5: {  	_ =	sdelay $0x1  }
0xb6: {  	[tilespmem:v7+s10+$0x0] =	vst.idx.msk vm0, v0  }
0xb7: {  	s17 =	sadd.s32 $0x40, s17;
	s18 =	sadd.s32 $0x40, s18;
	[tilespmem:v8+s10+$0x0] =	vst.idx.msk vm1, v2  }
0xb8: {  	s14 =	sadd.s32 $0x1, s14  }
0xb9: {  	p0 =	sne.s32 s14, $0x5  }
.Ltmp6:
0xba: {  	_ = 	snop;
	(pc) =	sbr.rel @p0 .LBB2_4-.Ltmp6, $4  }
0xbb: {  	_ = 	snop  }
0xbc: {  	s15 =	sshll.u32 s15, $0xB  }
0xbd: {  	s15 =	sadd.s32 s15, s4  }
0xbe: {  	[hbm4b:s15+s8] =	stream.strided.scatter [tilespmem:s10], [sflag:$0x2], $0xC000, s9, s8, $0x38;
	[tilespmem:$0x19200] =	vst v63  }
0xbf: {  	s13 =	sadd.s32 $0x1, s13  }
0xc0: {  	_ =	swait.ge [sflag:s11], $0xD000;
	p0 =	sne.s32 s13, s5  }
.Ltmp7:
0xc1: {  	[sflag:s11] =	ssyncset.done $0x0;
	(pc) =	sbr.rel @p0 .LBB2_1-.Ltmp7, $4  }
0xc2: {  	[sflag:s11] =	ssyncadd.s32 $0xFFFF3000  }
0xc3: {  	_ =	swait.ge [sflag:s12], $0xC000  }
0xc4: {  	[sflag:s12] =	ssyncset.done $0x0  }
0xc5: {  	[sflag:s12] =	ssyncadd.s32 $0xFFFF4000  }
0xc6: {  	_ =	sfence.sel $0x180000  }
0xc7: {  	[bflag:$0x0] =	sbarrier.arrive $0xFFFF  }
0xc8: {  	p0 =	sne.s32 s1, $0x0;
	_ =	strace $0x90000047  }
0xc9: {  	s0 =	sadd.s32 @!p0 $0x100000, s0;
	[bflag:$0x2] =	sbarrier.arrive $0xFFFF  }
0xca: {  	[sflag:s0] =	ssyncadd.tile.s32 @!p0 $0x1;
	_ =	shalt  }
.Lfunc_end2:
_tile_overlayer_lowered:
.L_overlay_start_2:
0xcb: {  	(tag) =	ssettag $0x2  }
0xcc: {  	s0 =	rddreg [dreg:$0x0];
	s2 =	stileid.u32  }
0xcd: {  	s1 =	rddreg [dreg:$0x1];
	p0 =	sne.s32 s2, $0x0  }
0xce: {  	s3 =	rddreg [dreg:$0x2];
	[bflag:$0x3] =	sbarrier.arrive $0xFFFF;
	s2 =	simm.s32 @!p0 $0x1C03  }
0xcf: {  	[timem:s3], [sflag:s2] =	dma.local @!p0 [hbm:s0], s1  }
0xd0: {  	s0 =	simm.s32 @!p0 $0x3  }
0xd1: {  	_ =	swait.ge @!p0 [sflag:s0], s1  }
0xd2: {  	s1 =	ssub.s32 @!p0 $0x0, s1;
	[sflag:s0] =	ssyncset.done @!p0 $0x0  }
0xd3: {  	[sflag:s0] =	ssyncadd.s32 @!p0 s1  }
0xd4: {  	[bflag:$0x3] =	sbarrier.arrive $0xFFFF  }
0xd5: {  	_ =	shalt  }

</sc_bundles>
